<compile_context>
chip_gen: v7x
topology: tpu7x:2x2x1
jax: 0.10.2.dev20260603
libtpu: 0.0.44.dev20260713+nightly
codegen_flags: <defaults>
</compile_context>

<pallas_src>
import functools

import jax
import jax.numpy as jnp
from jax import lax
from jax.experimental import pallas as pl
from jax.experimental.pallas import tpu as pltpu
from jax.experimental.pallas import tpu_sc as plsc

_info = plsc.get_sparse_core_info()
_NC = _info.num_cores
_NS = _info.num_subcores
_L = _info.num_lanes
_NW = _NC * _NS


@functools.lru_cache(maxsize=None)
def _make_gather(B, V, D, chunk, nbuf):
    bpw = B // _NW
    sizes = []
    left = bpw
    while left > 0:
        sizes.append(min(chunk, left))
        left -= sizes[-1]
    offs = [sum(sizes[:i]) for i in range(len(sizes))]
    n = len(sizes)
    mesh = plsc.VectorSubcoreMesh(core_axis_name="c", subcore_axis_name="s")

    scratch = [
        pltpu.VMEM((bpw,), jnp.int32),
        pltpu.VMEM((_L,), jnp.int32),
    ]
    scratch += [pltpu.VMEM((chunk, D), jnp.float32) for _ in range(nbuf)]
    scratch += [pltpu.SemaphoreType.DMA for _ in range(2 * nbuf)]

    @functools.partial(
        pl.kernel,
        mesh=mesh,
        out_type=jax.ShapeDtypeStruct((B, 1, D), jnp.float32),
        scratch_types=scratch,
    )
    def k(table_hbm, ids_hbm, gid_hbm, out_hbm, idx_v, g_v, *bufs_sems):
        bufs = bufs_sems[:nbuf]
        gsems = bufs_sems[nbuf:2 * nbuf]
        wsems = bufs_sems[2 * nbuf:]
        wid = lax.axis_index("s") * _NC + lax.axis_index("c")
        base = wid * bpw
        cp_ids = pltpu.async_copy(ids_hbm.at[pl.ds(base, bpw)], idx_v,
                                  gsems[0])
        cp_gid = pltpu.async_copy(gid_hbm, g_v.at[pl.ds(0, 1)], gsems[1])
        cp_gid.wait()
        gofs = lax.gather(
            g_v[...], jnp.zeros((_L, 1), jnp.int32),
            lax.GatherDimensionNumbers(offset_dims=(),
                                       collapsed_slice_dims=(0,),
                                       start_index_map=(0,)),
            (1,), mode=lax.GatherScatterMode.PROMISE_IN_BOUNDS) * V
        cp_ids.wait()

        def add_offsets(c):
            if sizes[c] == _L:
                return
            for i in range(offs[c] // _L, (offs[c] + sizes[c]) // _L):
                sl = pl.ds(i * _L, _L)
                idx_v[sl] = idx_v[sl] + gofs

        def gather(c):
            if sizes[c] == _L:
                idx = idx_v[pl.ds(offs[c], _L)] + gofs
                src = table_hbm.at[idx]
            else:
                src = table_hbm.at[idx_v.at[pl.ds(offs[c], sizes[c])]]
            return pltpu.async_copy(
                src, bufs[c % nbuf].at[pl.ds(0, sizes[c])],
                gsems[c % nbuf])

        def write(c):
            return pltpu.async_copy(
                bufs[c % nbuf].at[pl.ds(0, sizes[c])],
                out_hbm.at[pl.ds(base + offs[c], sizes[c]), 0],
                wsems[c % nbuf])

        gath = [None] * n
        wr = [None] * n
        head = min(nbuf, n)
        for c in range(head):
            add_offsets(c)
            gath[c] = gather(c)
        for c in range(head, n):
            add_offsets(c)
        drained = [False] * n
        for c in range(n):
            gath[c].wait()
            wr[c] = write(c)
            if c + nbuf < n:
                wr[c].wait()
                drained[c] = True
                gath[c + nbuf] = gather(c + nbuf)
        for c in range(n):
            if not drained[c]:
                wr[c].wait()

    return k


def kernel(tables, token_ids, group_idx):
    G, V, D = tables.shape
    B, S = token_ids.shape
    table_flat = tables.reshape(G * V, D)
    ids = token_ids.reshape(B * S)
    gid = jnp.asarray(group_idx, jnp.int32).reshape(1)
    out = _make_gather(B * S, V, D, 16, 6)(table_flat, ids, gid)
    return out.reshape(B, S, D) if S != 1 else out

# --- scband reference (transcript-rebuilt; emitter-appended) ---
"""Pipeline reference for scband-code-predictor-embed-module-25589415149810 (READ-ONLY COPY).

The authoritative reference and input builder live on the scoring server;
editing this copy changes nothing except your own understanding.
"""

import jax, jax.numpy as jnp
import numpy as np

NUM_GROUPS = 7
VOCAB = 8192
EMBED_DIM = 1024
BATCH = 4096
SEQ = 1


def setup_inputs(seed: int = 0) -> dict:
    key = jax.random.key(seed)
    k1, k2 = jax.random.split(key)
    # Concatenated/stacked weight matrices for the ModuleList of nn.Embedding
    tables = jax.random.normal(k1, (NUM_GROUPS, VOCAB, EMBED_DIM), dtype=jnp.float32) * 0.02
    token_ids = jax.random.randint(k2, (BATCH, SEQ), 0, VOCAB, dtype=jnp.int32)
    group_idx = 3  # scalar group selector, 0 <= group_idx < NUM_GROUPS
    return {"tables": tables, "token_ids": token_ids, "group_idx": group_idx}


def reference(tables, token_ids, group_idx):
    # Faithful translation: embed token_ids through EVERY group's table,
    # stack along a new leading dim, then select the requested group.
    results = []
    for g in range(tables.shape[0]):
        results.append(jnp.take(tables[g], token_ids, axis=0))  # [B, S, D]
    stacked = jnp.stack(results, axis=0)  # [G, B, S, D]
    return stacked[group_idx]  # [B, S, D]

if __name__ == "__main__":
    import jax
    _d = setup_inputs()
    print(jax.jit(kernel)(*tuple(_d.values())))

</pallas_src>

<mosaic_0001>
#map = affine_map<(d0, d1) -> (0, 0)>
#map1 = affine_map<(d0, d1) -> (0)>
#map2 = affine_map<(d0, d1) -> (0, 0, 0)>
module attributes {stable_mosaic.version = 14 : i64} {
  func.func @k(%arg0: i32, %arg1: i32, %arg2: memref<57344x1024xf32, #tpu.memory_space<hbm>>, %arg3: memref<4096xi32, #tpu.memory_space<hbm>>, %arg4: memref<1xi32, #tpu.memory_space<hbm>>, %arg5: memref<4096x1x1024xf32, #tpu.memory_space<hbm>>, %arg6: memref<128xi32, #tpu.memory_space<vmem>>, %arg7: memref<16xi32, #tpu.memory_space<vmem>>, %arg8: memref<16x1024xf32, #tpu.memory_space<vmem>>, %arg9: memref<16x1024xf32, #tpu.memory_space<vmem>>, %arg10: memref<16x1024xf32, #tpu.memory_space<vmem>>, %arg11: memref<16x1024xf32, #tpu.memory_space<vmem>>, %arg12: memref<16x1024xf32, #tpu.memory_space<vmem>>, %arg13: memref<16x1024xf32, #tpu.memory_space<vmem>>, %arg14: memref<!tpu.dma_semaphore, #tpu.memory_space<semaphore_mem>>, %arg15: memref<!tpu.dma_semaphore, #tpu.memory_space<semaphore_mem>>, %arg16: memref<!tpu.dma_semaphore, #tpu.memory_space<semaphore_mem>>, %arg17: memref<!tpu.dma_semaphore, #tpu.memory_space<semaphore_mem>>, %arg18: memref<!tpu.dma_semaphore, #tpu.memory_space<semaphore_mem>>, %arg19: memref<!tpu.dma_semaphore, #tpu.memory_space<semaphore_mem>>, %arg20: memref<!tpu.dma_semaphore, #tpu.memory_space<semaphore_mem>>, %arg21: memref<!tpu.dma_semaphore, #tpu.memory_space<semaphore_mem>>, %arg22: memref<!tpu.dma_semaphore, #tpu.memory_space<semaphore_mem>>, %arg23: memref<!tpu.dma_semaphore, #tpu.memory_space<semaphore_mem>>, %arg24: memref<!tpu.dma_semaphore, #tpu.memory_space<semaphore_mem>>, %arg25: memref<!tpu.dma_semaphore, #tpu.memory_space<semaphore_mem>>) attributes {dimension_semantics = [#tpu.dimension_semantics<core_parallel>, #tpu.dimension_semantics<subcore_parallel>], iteration_bounds = array<i64: 2, 16>, scalar_prefetch = 0 : i64, scratch_operands = 20 : i64, tpu.core_type = #tpu.core_type<sc_vector_subcore>, window_params = [{transform_indices = #map}, {transform_indices = #map1}, {transform_indices = #map1}, {transform_indices = #map2}]} {
    %mul3A = arith.constant 2 : i32
    %mul3A_0 = arith.muli %arg1, %mul3A : i32
    %add3A = arith.addi %mul3A_0, %arg0 : i32
    %mul3A_1 = arith.constant 128 : i32
    %mul3A_2 = arith.muli %add3A, %mul3A_1 : i32
    %dma_start3A = tpu.memref_slice %arg3[%mul3A_2] : memref<4096xi32, #tpu.memory_space<hbm>> -> memref<128xi32, #tpu.memory_space<hbm>>
    %dma_start3A_3 = tpu.memref_slice %arg3[%mul3A_2] : memref<4096xi32, #tpu.memory_space<hbm>> -> memref<128xi32, #tpu.memory_space<hbm>>
    tpu.enqueue_dma source(%dma_start3A_3 : memref<128xi32, #tpu.memory_space<hbm>>) target(%arg6 : memref<128xi32, #tpu.memory_space<vmem>>) target_semaphore(%arg14 : memref<!tpu.dma_semaphore, #tpu.memory_space<semaphore_mem>>)
    %dma_start3A_4 = arith.constant 0 : i32
    %dma_start3A_5 = tpu.memref_slice %arg7[%dma_start3A_4] : memref<16xi32, #tpu.memory_space<vmem>> -> memref<1xi32, #tpu.memory_space<vmem>>
    %dma_start3A_6 = arith.constant 0 : i32
    %dma_start3A_7 = tpu.memref_slice %arg7[%dma_start3A_6] : memref<16xi32, #tpu.memory_space<vmem>> -> memref<1xi32, #tpu.memory_space<vmem>>
    tpu.enqueue_dma source(%arg4 : memref<1xi32, #tpu.memory_space<hbm>>) target(%dma_start3A_7 : memref<1xi32, #tpu.memory_space<vmem>>) target_semaphore(%arg15 : memref<!tpu.dma_semaphore, #tpu.memory_space<semaphore_mem>>)
    %dma_wait3A = arith.constant 0 : i32
    %dma_wait3A_8 = tpu.memref_slice %arg7[%dma_wait3A] : memref<16xi32, #tpu.memory_space<vmem>> -> memref<1xi32, #tpu.memory_space<vmem>>
    %dma_wait3A_9 = arith.constant 0 : i32
    %dma_wait3A_10 = tpu.memref_slice %arg7[%dma_wait3A_9] : memref<16xi32, #tpu.memory_space<vmem>> -> memref<1xi32, #tpu.memory_space<vmem>>
    tpu.wait_dma2 semaphore(%arg15 : memref<!tpu.dma_semaphore, #tpu.memory_space<semaphore_mem>>) src(%arg4 : memref<1xi32, #tpu.memory_space<hbm>>) dst(%dma_wait3A_10 : memref<1xi32, #tpu.memory_space<vmem>>)
    %get3A = arith.constant 0 : index
    %get3A_11 = tpu.vector_load %arg7[%get3A] {strides = array<i32>} : memref<16xi32, #tpu.memory_space<vmem>>, vector<16xi32>,
    %get3A_12 = vector.shape_cast %get3A_11 : vector<16xi32> to vector<16xi32>
    %broadcast_in_dim3A = arith.constant 0 : i32
    %broadcast_in_dim3A_13 = vector.broadcast %broadcast_in_dim3A : i32 to vector<16x1xi32>
    %gather3A = vector.shape_cast %broadcast_in_dim3A_13 : vector<16x1xi32> to vector<16xi32>
    %gather3A_14 = tpu.dynamic_gather %get3A_12[%gather3A] in [0] : vector<16xi32>, vector<16xi32> -> vector<16xi32>
    %mul3A_15 = arith.constant 8192 : i32
    %mul3A_16 = vector.broadcast %mul3A_15 : i32 to vector<16xi32>
    %mul3A_17 = arith.muli %gather3A_14, %mul3A_16 : vector<16xi32>
    %dma_wait3A_18 = tpu.memref_slice %arg3[%mul3A_2] : memref<4096xi32, #tpu.memory_space<hbm>> -> memref<128xi32, #tpu.memory_space<hbm>>
    %dma_wait3A_19 = tpu.memref_slice %arg3[%mul3A_2] : memref<4096xi32, #tpu.memory_space<hbm>> -> memref<128xi32, #tpu.memory_space<hbm>>
    tpu.wait_dma2 semaphore(%arg14 : memref<!tpu.dma_semaphore, #tpu.memory_space<semaphore_mem>>) src(%dma_wait3A_19 : memref<128xi32, #tpu.memory_space<hbm>>) dst(%arg6 : memref<128xi32, #tpu.memory_space<vmem>>)
    %get3A_20 = arith.constant 0 : index
    %get3A_21 = tpu.vector_load %arg6[%get3A_20] {strides = array<i32>} : memref<128xi32, #tpu.memory_space<vmem>>, vector<16xi32>,
    %get3A_22 = vector.shape_cast %get3A_21 : vector<16xi32> to vector<16xi32>
    %add3A_23 = arith.addi %get3A_22, %mul3A_17 : vector<16xi32>
    %dma_start3A_24 = arith.constant 0 : i32
    %dma_start3A_25 = arith.constant 0 : i32
    %dma_start3A_26 = tpu.memref_slice %arg8[%dma_start3A_24, %dma_start3A_25] : memref<16x1024xf32, #tpu.memory_space<vmem>> -> memref<16x1024xf32, #tpu.memory_space<vmem>>
    %dma_start3A_27 = arith.constant 0 : i32
    %dma_start3A_28 = arith.constant 0 : i32
    %dma_start3A_29 = tpu.memref_slice %arg2[%dma_start3A_27, %dma_start3A_28] : memref<57344x1024xf32, #tpu.memory_space<hbm>> -> memref<57344x1024xf32, #tpu.memory_space<hbm>>
    tpu.enqueue_indirect_dma source(%dma_start3A_29 : memref<57344x1024xf32, #tpu.memory_space<hbm>>) target(%dma_start3A_26 : memref<16x1024xf32, #tpu.memory_space<vmem>>) offsets(%add3A_23 : vector<16xi32>) semaphore(%arg14 : memref<!tpu.dma_semaphore, #tpu.memory_space<semaphore_mem>>)
    %get3A_30 = arith.constant 16 : index
    %get3A_31 = tpu.vector_load %arg6[%get3A_30] {strides = array<i32>} : memref<128xi32, #tpu.memory_space<vmem>>, vector<16xi32>,
    %get3A_32 = vector.shape_cast %get3A_31 : vector<16xi32> to vector<16xi32>
    %add3A_33 = arith.addi %get3A_32, %mul3A_17 : vector<16xi32>
    %dma_start3A_34 = arith.constant 0 : i32
    %dma_start3A_35 = arith.constant 0 : i32
    %dma_start3A_36 = tpu.memref_slice %arg9[%dma_start3A_34, %dma_start3A_35] : memref<16x1024xf32, #tpu.memory_space<vmem>> -> memref<16x1024xf32, #tpu.memory_space<vmem>>
    %dma_start3A_37 = arith.constant 0 : i32
    %dma_start3A_38 = arith.constant 0 : i32
    %dma_start3A_39 = tpu.memref_slice %arg2[%dma_start3A_37, %dma_start3A_38] : memref<57344x1024xf32, #tpu.memory_space<hbm>> -> memref<57344x1024xf32, #tpu.memory_space<hbm>>
    tpu.enqueue_indirect_dma source(%dma_start3A_39 : memref<57344x1024xf32, #tpu.memory_space<hbm>>) target(%dma_start3A_36 : memref<16x1024xf32, #tpu.memory_space<vmem>>) offsets(%add3A_33 : vector<16xi32>) semaphore(%arg15 : memref<!tpu.dma_semaphore, #tpu.memory_space<semaphore_mem>>)
    %get3A_40 = arith.constant 32 : index
    %get3A_41 = tpu.vector_load %arg6[%get3A_40] {strides = array<i32>} : memref<128xi32, #tpu.memory_space<vmem>>, vector<16xi32>,
    %get3A_42 = vector.shape_cast %get3A_41 : vector<16xi32> to vector<16xi32>
    %add3A_43 = arith.addi %get3A_42, %mul3A_17 : vector<16xi32>
    %dma_start3A_44 = arith.constant 0 : i32
    %dma_start3A_45 = arith.constant 0 : i32
    %dma_start3A_46 = tpu.memref_slice %arg10[%dma_start3A_44, %dma_start3A_45] : memref<16x1024xf32, #tpu.memory_space<vmem>> -> memref<16x1024xf32, #tpu.memory_space<vmem>>
    %dma_start3A_47 = arith.constant 0 : i32
    %dma_start3A_48 = arith.constant 0 : i32
    %dma_start3A_49 = tpu.memref_slice %arg2[%dma_start3A_47, %dma_start3A_48] : memref<57344x1024xf32, #tpu.memory_space<hbm>> -> memref<57344x1024xf32, #tpu.memory_space<hbm>>
    tpu.enqueue_indirect_dma source(%dma_start3A_49 : memref<57344x1024xf32, #tpu.memory_space<hbm>>) target(%dma_start3A_46 : memref<16x1024xf32, #tpu.memory_space<vmem>>) offsets(%add3A_43 : vector<16xi32>) semaphore(%arg16 : memref<!tpu.dma_semaphore, #tpu.memory_space<semaphore_mem>>)
    %get3A_50 = arith.constant 48 : index
    %get3A_51 = tpu.vector_load %arg6[%get3A_50] {strides = array<i32>} : memref<128xi32, #tpu.memory_space<vmem>>, vector<16xi32>,
    %get3A_52 = vector.shape_cast %get3A_51 : vector<16xi32> to vector<16xi32>
    %add3A_53 = arith.addi %get3A_52, %mul3A_17 : vector<16xi32>
    %dma_start3A_54 = arith.constant 0 : i32
    %dma_start3A_55 = arith.constant 0 : i32
    %dma_start3A_56 = tpu.memref_slice %arg11[%dma_start3A_54, %dma_start3A_55] : memref<16x1024xf32, #tpu.memory_space<vmem>> -> memref<16x1024xf32, #tpu.memory_space<vmem>>
    %dma_start3A_57 = arith.constant 0 : i32
    %dma_start3A_58 = arith.constant 0 : i32
    %dma_start3A_59 = tpu.memref_slice %arg2[%dma_start3A_57, %dma_start3A_58] : memref<57344x1024xf32, #tpu.memory_space<hbm>> -> memref<57344x1024xf32, #tpu.memory_space<hbm>>
    tpu.enqueue_indirect_dma source(%dma_start3A_59 : memref<57344x1024xf32, #tpu.memory_space<hbm>>) target(%dma_start3A_56 : memref<16x1024xf32, #tpu.memory_space<vmem>>) offsets(%add3A_53 : vector<16xi32>) semaphore(%arg17 : memref<!tpu.dma_semaphore, #tpu.memory_space<semaphore_mem>>)
    %get3A_60 = arith.constant 64 : index
    %get3A_61 = tpu.vector_load %arg6[%get3A_60] {strides = array<i32>} : memref<128xi32, #tpu.memory_space<vmem>>, vector<16xi32>,
    %get3A_62 = vector.shape_cast %get3A_61 : vector<16xi32> to vector<16xi32>
    %add3A_63 = arith.addi %get3A_62, %mul3A_17 : vector<16xi32>
    %dma_start3A_64 = arith.constant 0 : i32
    %dma_start3A_65 = arith.constant 0 : i32
    %dma_start3A_66 = tpu.memref_slice %arg12[%dma_start3A_64, %dma_start3A_65] : memref<16x1024xf32, #tpu.memory_space<vmem>> -> memref<16x1024xf32, #tpu.memory_space<vmem>>
    %dma_start3A_67 = arith.constant 0 : i32
    %dma_start3A_68 = arith.constant 0 : i32
    %dma_start3A_69 = tpu.memref_slice %arg2[%dma_start3A_67, %dma_start3A_68] : memref<57344x1024xf32, #tpu.memory_space<hbm>> -> memref<57344x1024xf32, #tpu.memory_space<hbm>>
    tpu.enqueue_indirect_dma source(%dma_start3A_69 : memref<57344x1024xf32, #tpu.memory_space<hbm>>) target(%dma_start3A_66 : memref<16x1024xf32, #tpu.memory_space<vmem>>) offsets(%add3A_63 : vector<16xi32>) semaphore(%arg18 : memref<!tpu.dma_semaphore, #tpu.memory_space<semaphore_mem>>)
    %get3A_70 = arith.constant 80 : index
    %get3A_71 = tpu.vector_load %arg6[%get3A_70] {strides = array<i32>} : memref<128xi32, #tpu.memory_space<vmem>>, vector<16xi32>,
    %get3A_72 = vector.shape_cast %get3A_71 : vector<16xi32> to vector<16xi32>
    %add3A_73 = arith.addi %get3A_72, %mul3A_17 : vector<16xi32>
    %dma_start3A_74 = arith.constant 0 : i32
    %dma_start3A_75 = arith.constant 0 : i32
    %dma_start3A_76 = tpu.memref_slice %arg13[%dma_start3A_74, %dma_start3A_75] : memref<16x1024xf32, #tpu.memory_space<vmem>> -> memref<16x1024xf32, #tpu.memory_space<vmem>>
    %dma_start3A_77 = arith.constant 0 : i32
    %dma_start3A_78 = arith.constant 0 : i32
    %dma_start3A_79 = tpu.memref_slice %arg2[%dma_start3A_77, %dma_start3A_78] : memref<57344x1024xf32, #tpu.memory_space<hbm>> -> memref<57344x1024xf32, #tpu.memory_space<hbm>>
    tpu.enqueue_indirect_dma source(%dma_start3A_79 : memref<57344x1024xf32, #tpu.memory_space<hbm>>) target(%dma_start3A_76 : memref<16x1024xf32, #tpu.memory_space<vmem>>) offsets(%add3A_73 : vector<16xi32>) semaphore(%arg19 : memref<!tpu.dma_semaphore, #tpu.memory_space<semaphore_mem>>)
    %dma_wait3A_80 = arith.constant 0 : i32
    %dma_wait3A_81 = arith.constant 0 : i32
    %dma_wait3A_82 = tpu.memref_slice %arg8[%dma_wait3A_80, %dma_wait3A_81] : memref<16x1024xf32, #tpu.memory_space<vmem>> -> memref<16x1024xf32, #tpu.memory_space<vmem>>
    %dma_wait3A_83 = arith.constant 0 : i32
    %dma_wait3A_84 = arith.constant 0 : i32
    %dma_wait3A_85 = tpu.memref_slice %arg2[%dma_wait3A_83, %dma_wait3A_84] : memref<57344x1024xf32, #tpu.memory_space<hbm>> -> memref<57344x1024xf32, #tpu.memory_space<hbm>>
    tpu.wait_indirect_dma semaphore(%arg14 : memref<!tpu.dma_semaphore, #tpu.memory_space<semaphore_mem>>) src(%dma_wait3A_85 : memref<57344x1024xf32, #tpu.memory_space<hbm>>) dst(%dma_wait3A_82 : memref<16x1024xf32, #tpu.memory_space<vmem>>)
    %add3A_86 = arith.constant 0 : i32
    %add3A_87 = arith.addi %mul3A_2, %add3A_86 : i32
    %dma_start3A_88 = arith.constant 0 : i32
    %dma_start3A_89 = arith.constant 0 : i32
    %dma_start3A_90 = arith.constant 0 : i32
    %dma_start3A_91 = tpu.memref_slice %arg8[%dma_start3A_89, %dma_start3A_90] : memref<16x1024xf32, #tpu.memory_space<vmem>> -> memref<16x1024xf32, #tpu.memory_space<vmem>>
    %dma_start3A_92 = arith.constant 0 : i32
    %dma_start3A_93 = tpu.memref_slice %arg5[%add3A_87, %dma_start3A_88, %dma_start3A_92] : memref<4096x1x1024xf32, #tpu.memory_space<hbm>> -> memref<16x1x1024xf32, #tpu.memory_space<hbm>>
    %dma_start3A_94 = tpu.memref_squeeze %dma_start3A_93 : memref<16x1x1024xf32, #tpu.memory_space<hbm>> -> memref<16x1024xf32, #tpu.memory_space<hbm>>
    %dma_start3A_95 = arith.constant 0 : i32
    %dma_start3A_96 = tpu.memref_slice %arg5[%add3A_87, %dma_start3A_88, %dma_start3A_95] : memref<4096x1x1024xf32, #tpu.memory_space<hbm>> -> memref<16x1x1024xf32, #tpu.memory_space<hbm>>
    %dma_start3A_97 = tpu.memref_squeeze %dma_start3A_96 : memref<16x1x1024xf32, #tpu.memory_space<hbm>> -> memref<16x1024xf32, #tpu.memory_space<hbm>>
    %dma_start3A_98 = arith.constant 0 : i32
    %dma_start3A_99 = arith.constant 0 : i32
    %dma_start3A_100 = tpu.memref_slice %arg8[%dma_start3A_98, %dma_start3A_99] : memref<16x1024xf32, #tpu.memory_space<vmem>> -> memref<16x1024xf32, #tpu.memory_space<vmem>>
    tpu.enqueue_dma source(%dma_start3A_100 : memref<16x1024xf32, #tpu.memory_space<vmem>>) target(%dma_start3A_97 : memref<16x1024xf32, #tpu.memory_space<hbm>>) target_semaphore(%arg20 : memref<!tpu.dma_semaphore, #tpu.memory_space<semaphore_mem>>)
    %dma_wait3A_101 = arith.constant 0 : i32
    %dma_wait3A_102 = arith.constant 0 : i32
    %dma_wait3A_103 = arith.constant 0 : i32
    %dma_wait3A_104 = tpu.memref_slice %arg8[%dma_wait3A_102, %dma_wait3A_103] : memref<16x1024xf32, #tpu.memory_space<vmem>> -> memref<16x1024xf32, #tpu.memory_space<vmem>>
    %dma_wait3A_105 = arith.constant 0 : i32
    %dma_wait3A_106 = tpu.memref_slice %arg5[%add3A_87, %dma_wait3A_101, %dma_wait3A_105] : memref<4096x1x1024xf32, #tpu.memory_space<hbm>> -> memref<16x1x1024xf32, #tpu.memory_space<hbm>>
    %dma_wait3A_107 = tpu.memref_squeeze %dma_wait3A_106 : memref<16x1x1024xf32, #tpu.memory_space<hbm>> -> memref<16x1024xf32, #tpu.memory_space<hbm>>
    %dma_wait3A_108 = arith.constant 0 : i32
    %dma_wait3A_109 = tpu.memref_slice %arg5[%add3A_87, %dma_wait3A_101, %dma_wait3A_108] : memref<4096x1x1024xf32, #tpu.memory_space<hbm>> -> memref<16x1x1024xf32, #tpu.memory_space<hbm>>
    %dma_wait3A_110 = tpu.memref_squeeze %dma_wait3A_109 : memref<16x1x1024xf32, #tpu.memory_space<hbm>> -> memref<16x1024xf32, #tpu.memory_space<hbm>>
    %dma_wait3A_111 = arith.constant 0 : i32
    %dma_wait3A_112 = arith.constant 0 : i32
    %dma_wait3A_113 = tpu.memref_slice %arg8[%dma_wait3A_111, %dma_wait3A_112] : memref<16x1024xf32, #tpu.memory_space<vmem>> -> memref<16x1024xf32, #tpu.memory_space<vmem>>
    tpu.wait_dma2 semaphore(%arg20 : memref<!tpu.dma_semaphore, #tpu.memory_space<semaphore_mem>>) src(%dma_wait3A_113 : memref<16x1024xf32, #tpu.memory_space<vmem>>) dst(%dma_wait3A_110 : memref<16x1024xf32, #tpu.memory_space<hbm>>)
    %get3A_114 = arith.constant 96 : index
    %get3A_115 = tpu.vector_load %arg6[%get3A_114] {strides = array<i32>} : memref<128xi32, #tpu.memory_space<vmem>>, vector<16xi32>,
    %get3A_116 = vector.shape_cast %get3A_115 : vector<16xi32> to vector<16xi32>
    %add3A_117 = arith.addi %get3A_116, %mul3A_17 : vector<16xi32>
    %dma_start3A_118 = arith.constant 0 : i32
    %dma_start3A_119 = arith.constant 0 : i32
    %dma_start3A_120 = tpu.memref_slice %arg8[%dma_start3A_118, %dma_start3A_119] : memref<16x1024xf32, #tpu.memory_space<vmem>> -> memref<16x1024xf32, #tpu.memory_space<vmem>>
    %dma_start3A_121 = arith.constant 0 : i32
    %dma_start3A_122 = arith.constant 0 : i32
    %dma_start3A_123 = tpu.memref_slice %arg2[%dma_start3A_121, %dma_start3A_122] : memref<57344x1024xf32, #tpu.memory_space<hbm>> -> memref<57344x1024xf32, #tpu.memory_space<hbm>>
    tpu.enqueue_indirect_dma source(%dma_start3A_123 : memref<57344x1024xf32, #tpu.memory_space<hbm>>) target(%dma_start3A_120 : memref<16x1024xf32, #tpu.memory_space<vmem>>) offsets(%add3A_117 : vector<16xi32>) semaphore(%arg14 : memref<!tpu.dma_semaphore, #tpu.memory_space<semaphore_mem>>)
    %dma_wait3A_124 = arith.constant 0 : i32
    %dma_wait3A_125 = arith.constant 0 : i32
    %dma_wait3A_126 = tpu.memref_slice %arg9[%dma_wait3A_124, %dma_wait3A_125] : memref<16x1024xf32, #tpu.memory_space<vmem>> -> memref<16x1024xf32, #tpu.memory_space<vmem>>
    %dma_wait3A_127 = arith.constant 0 : i32
    %dma_wait3A_128 = arith.constant 0 : i32
    %dma_wait3A_129 = tpu.memref_slice %arg2[%dma_wait3A_127, %dma_wait3A_128] : memref<57344x1024xf32, #tpu.memory_space<hbm>> -> memref<57344x1024xf32, #tpu.memory_space<hbm>>
    tpu.wait_indirect_dma semaphore(%arg15 : memref<!tpu.dma_semaphore, #tpu.memory_space<semaphore_mem>>) src(%dma_wait3A_129 : memref<57344x1024xf32, #tpu.memory_space<hbm>>) dst(%dma_wait3A_126 : memref<16x1024xf32, #tpu.memory_space<vmem>>)
    %add3A_130 = arith.constant 16 : i32
    %add3A_131 = arith.addi %mul3A_2, %add3A_130 : i32
    %dma_start3A_132 = arith.constant 0 : i32
    %dma_start3A_133 = arith.constant 0 : i32
    %dma_start3A_134 = arith.constant 0 : i32
    %dma_start3A_135 = tpu.memref_slice %arg9[%dma_start3A_133, %dma_start3A_134] : memref<16x1024xf32, #tpu.memory_space<vmem>> -> memref<16x1024xf32, #tpu.memory_space<vmem>>
    %dma_start3A_136 = arith.constant 0 : i32
    %dma_start3A_137 = tpu.memref_slice %arg5[%add3A_131, %dma_start3A_132, %dma_start3A_136] : memref<4096x1x1024xf32, #tpu.memory_space<hbm>> -> memref<16x1x1024xf32, #tpu.memory_space<hbm>>
    %dma_start3A_138 = tpu.memref_squeeze %dma_start3A_137 : memref<16x1x1024xf32, #tpu.memory_space<hbm>> -> memref<16x1024xf32, #tpu.memory_space<hbm>>
    %dma_start3A_139 = arith.constant 0 : i32
    %dma_start3A_140 = tpu.memref_slice %arg5[%add3A_131, %dma_start3A_132, %dma_start3A_139] : memref<4096x1x1024xf32, #tpu.memory_space<hbm>> -> memref<16x1x1024xf32, #tpu.memory_space<hbm>>
    %dma_start3A_141 = tpu.memref_squeeze %dma_start3A_140 : memref<16x1x1024xf32, #tpu.memory_space<hbm>> -> memref<16x1024xf32, #tpu.memory_space<hbm>>
    %dma_start3A_142 = arith.constant 0 : i32
    %dma_start3A_143 = arith.constant 0 : i32
    %dma_start3A_144 = tpu.memref_slice %arg9[%dma_start3A_142, %dma_start3A_143] : memref<16x1024xf32, #tpu.memory_space<vmem>> -> memref<16x1024xf32, #tpu.memory_space<vmem>>
    tpu.enqueue_dma source(%dma_start3A_144 : memref<16x1024xf32, #tpu.memory_space<vmem>>) target(%dma_start3A_141 : memref<16x1024xf32, #tpu.memory_space<hbm>>) target_semaphore(%arg21 : memref<!tpu.dma_semaphore, #tpu.memory_space<semaphore_mem>>)
    %dma_wait3A_145 = arith.constant 0 : i32
    %dma_wait3A_146 = arith.constant 0 : i32
    %dma_wait3A_147 = arith.constant 0 : i32
    %dma_wait3A_148 = tpu.memref_slice %arg9[%dma_wait3A_146, %dma_wait3A_147] : memref<16x1024xf32, #tpu.memory_space<vmem>> -> memref<16x1024xf32, #tpu.memory_space<vmem>>
    %dma_wait3A_149 = arith.constant 0 : i32
    %dma_wait3A_150 = tpu.memref_slice %arg5[%add3A_131, %dma_wait3A_145, %dma_wait3A_149] : memref<4096x1x1024xf32, #tpu.memory_space<hbm>> -> memref<16x1x1024xf32, #tpu.memory_space<hbm>>
    %dma_wait3A_151 = tpu.memref_squeeze %dma_wait3A_150 : memref<16x1x1024xf32, #tpu.memory_space<hbm>> -> memref<16x1024xf32, #tpu.memory_space<hbm>>
    %dma_wait3A_152 = arith.constant 0 : i32
    %dma_wait3A_153 = tpu.memref_slice %arg5[%add3A_131, %dma_wait3A_145, %dma_wait3A_152] : memref<4096x1x1024xf32, #tpu.memory_space<hbm>> -> memref<16x1x1024xf32, #tpu.memory_space<hbm>>
    %dma_wait3A_154 = tpu.memref_squeeze %dma_wait3A_153 : memref<16x1x1024xf32, #tpu.memory_space<hbm>> -> memref<16x1024xf32, #tpu.memory_space<hbm>>
    %dma_wait3A_155 = arith.constant 0 : i32
    %dma_wait3A_156 = arith.constant 0 : i32
    %dma_wait3A_157 = tpu.memref_slice %arg9[%dma_wait3A_155, %dma_wait3A_156] : memref<16x1024xf32, #tpu.memory_space<vmem>> -> memref<16x1024xf32, #tpu.memory_space<vmem>>
    tpu.wait_dma2 semaphore(%arg21 : memref<!tpu.dma_semaphore, #tpu.memory_space<semaphore_mem>>) src(%dma_wait3A_157 : memref<16x1024xf32, #tpu.memory_space<vmem>>) dst(%dma_wait3A_154 : memref<16x1024xf32, #tpu.memory_space<hbm>>)
    %get3A_158 = arith.constant 112 : index
    %get3A_159 = tpu.vector_load %arg6[%get3A_158] {strides = array<i32>} : memref<128xi32, #tpu.memory_space<vmem>>, vector<16xi32>,
    %get3A_160 = vector.shape_cast %get3A_159 : vector<16xi32> to vector<16xi32>
    %add3A_161 = arith.addi %get3A_160, %mul3A_17 : vector<16xi32>
    %dma_start3A_162 = arith.constant 0 : i32
    %dma_start3A_163 = arith.constant 0 : i32
    %dma_start3A_164 = tpu.memref_slice %arg9[%dma_start3A_162, %dma_start3A_163] : memref<16x1024xf32, #tpu.memory_space<vmem>> -> memref<16x1024xf32, #tpu.memory_space<vmem>>
    %dma_start3A_165 = arith.constant 0 : i32
    %dma_start3A_166 = arith.constant 0 : i32
    %dma_start3A_167 = tpu.memref_slice %arg2[%dma_start3A_165, %dma_start3A_166] : memref<57344x1024xf32, #tpu.memory_space<hbm>> -> memref<57344x1024xf32, #tpu.memory_space<hbm>>
    tpu.enqueue_indirect_dma source(%dma_start3A_167 : memref<57344x1024xf32, #tpu.memory_space<hbm>>) target(%dma_start3A_164 : memref<16x1024xf32, #tpu.memory_space<vmem>>) offsets(%add3A_161 : vector<16xi32>) semaphore(%arg15 : memref<!tpu.dma_semaphore, #tpu.memory_space<semaphore_mem>>)
    %dma_wait3A_168 = arith.constant 0 : i32
    %dma_wait3A_169 = arith.constant 0 : i32
    %dma_wait3A_170 = tpu.memref_slice %arg10[%dma_wait3A_168, %dma_wait3A_169] : memref<16x1024xf32, #tpu.memory_space<vmem>> -> memref<16x1024xf32, #tpu.memory_space<vmem>>
    %dma_wait3A_171 = arith.constant 0 : i32
    %dma_wait3A_172 = arith.constant 0 : i32
    %dma_wait3A_173 = tpu.memref_slice %arg2[%dma_wait3A_171, %dma_wait3A_172] : memref<57344x1024xf32, #tpu.memory_space<hbm>> -> memref<57344x1024xf32, #tpu.memory_space<hbm>>
    tpu.wait_indirect_dma semaphore(%arg16 : memref<!tpu.dma_semaphore, #tpu.memory_space<semaphore_mem>>) src(%dma_wait3A_173 : memref<57344x1024xf32, #tpu.memory_space<hbm>>) dst(%dma_wait3A_170 : memref<16x1024xf32, #tpu.memory_space<vmem>>)
    %add3A_174 = arith.constant 32 : i32
    %add3A_175 = arith.addi %mul3A_2, %add3A_174 : i32
    %dma_start3A_176 = arith.constant 0 : i32
    %dma_start3A_177 = arith.constant 0 : i32
    %dma_start3A_178 = arith.constant 0 : i32
    %dma_start3A_179 = tpu.memref_slice %arg10[%dma_start3A_177, %dma_start3A_178] : memref<16x1024xf32, #tpu.memory_space<vmem>> -> memref<16x1024xf32, #tpu.memory_space<vmem>>
    %dma_start3A_180 = arith.constant 0 : i32
    %dma_start3A_181 = tpu.memref_slice %arg5[%add3A_175, %dma_start3A_176, %dma_start3A_180] : memref<4096x1x1024xf32, #tpu.memory_space<hbm>> -> memref<16x1x1024xf32, #tpu.memory_space<hbm>>
    %dma_start3A_182 = tpu.memref_squeeze %dma_start3A_181 : memref<16x1x1024xf32, #tpu.memory_space<hbm>> -> memref<16x1024xf32, #tpu.memory_space<hbm>>
    %dma_start3A_183 = arith.constant 0 : i32
    %dma_start3A_184 = tpu.memref_slice %arg5[%add3A_175, %dma_start3A_176, %dma_start3A_183] : memref<4096x1x1024xf32, #tpu.memory_space<hbm>> -> memref<16x1x1024xf32, #tpu.memory_space<hbm>>
    %dma_start3A_185 = tpu.memref_squeeze %dma_start3A_184 : memref<16x1x1024xf32, #tpu.memory_space<hbm>> -> memref<16x1024xf32, #tpu.memory_space<hbm>>
    %dma_start3A_186 = arith.constant 0 : i32
    %dma_start3A_187 = arith.constant 0 : i32
    %dma_start3A_188 = tpu.memref_slice %arg10[%dma_start3A_186, %dma_start3A_187] : memref<16x1024xf32, #tpu.memory_space<vmem>> -> memref<16x1024xf32, #tpu.memory_space<vmem>>
    tpu.enqueue_dma source(%dma_start3A_188 : memref<16x1024xf32, #tpu.memory_space<vmem>>) target(%dma_start3A_185 : memref<16x1024xf32, #tpu.memory_space<hbm>>) target_semaphore(%arg22 : memref<!tpu.dma_semaphore, #tpu.memory_space<semaphore_mem>>)
    %dma_wait3A_189 = arith.constant 0 : i32
    %dma_wait3A_190 = arith.constant 0 : i32
    %dma_wait3A_191 = tpu.memref_slice %arg11[%dma_wait3A_189, %dma_wait3A_190] : memref<16x1024xf32, #tpu.memory_space<vmem>> -> memref<16x1024xf32, #tpu.memory_space<vmem>>
    %dma_wait3A_192 = arith.constant 0 : i32
    %dma_wait3A_193 = arith.constant 0 : i32
    %dma_wait3A_194 = tpu.memref_slice %arg2[%dma_wait3A_192, %dma_wait3A_193] : memref<57344x1024xf32, #tpu.memory_space<hbm>> -> memref<57344x1024xf32, #tpu.memory_space<hbm>>
    tpu.wait_indirect_dma semaphore(%arg17 : memref<!tpu.dma_semaphore, #tpu.memory_space<semaphore_mem>>) src(%dma_wait3A_194 : memref<57344x1024xf32, #tpu.memory_space<hbm>>) dst(%dma_wait3A_191 : memref<16x1024xf32, #tpu.memory_space<vmem>>)
    %add3A_195 = arith.constant 48 : i32
    %add3A_196 = arith.addi %mul3A_2, %add3A_195 : i32
    %dma_start3A_197 = arith.constant 0 : i32
    %dma_start3A_198 = arith.constant 0 : i32
    %dma_start3A_199 = arith.constant 0 : i32
    %dma_start3A_200 = tpu.memref_slice %arg11[%dma_start3A_198, %dma_start3A_199] : memref<16x1024xf32, #tpu.memory_space<vmem>> -> memref<16x1024xf32, #tpu.memory_space<vmem>>
    %dma_start3A_201 = arith.constant 0 : i32
    %dma_start3A_202 = tpu.memref_slice %arg5[%add3A_196, %dma_start3A_197, %dma_start3A_201] : memref<4096x1x1024xf32, #tpu.memory_space<hbm>> -> memref<16x1x1024xf32, #tpu.memory_space<hbm>>
    %dma_start3A_203 = tpu.memref_squeeze %dma_start3A_202 : memref<16x1x1024xf32, #tpu.memory_space<hbm>> -> memref<16x1024xf32, #tpu.memory_space<hbm>>
    %dma_start3A_204 = arith.constant 0 : i32
    %dma_start3A_205 = tpu.memref_slice %arg5[%add3A_196, %dma_start3A_197, %dma_start3A_204] : memref<4096x1x1024xf32, #tpu.memory_space<hbm>> -> memref<16x1x1024xf32, #tpu.memory_space<hbm>>
    %dma_start3A_206 = tpu.memref_squeeze %dma_start3A_205 : memref<16x1x1024xf32, #tpu.memory_space<hbm>> -> memref<16x1024xf32, #tpu.memory_space<hbm>>
    %dma_start3A_207 = arith.constant 0 : i32
    %dma_start3A_208 = arith.constant 0 : i32
    %dma_start3A_209 = tpu.memref_slice %arg11[%dma_start3A_207, %dma_start3A_208] : memref<16x1024xf32, #tpu.memory_space<vmem>> -> memref<16x1024xf32, #tpu.memory_space<vmem>>
    tpu.enqueue_dma source(%dma_start3A_209 : memref<16x1024xf32, #tpu.memory_space<vmem>>) target(%dma_start3A_206 : memref<16x1024xf32, #tpu.memory_space<hbm>>) target_semaphore(%arg23 : memref<!tpu.dma_semaphore, #tpu.memory_space<semaphore_mem>>)
    %dma_wait3A_210 = arith.constant 0 : i32
    %dma_wait3A_211 = arith.constant 0 : i32
    %dma_wait3A_212 = tpu.memref_slice %arg12[%dma_wait3A_210, %dma_wait3A_211] : memref<16x1024xf32, #tpu.memory_space<vmem>> -> memref<16x1024xf32, #tpu.memory_space<vmem>>
    %dma_wait3A_213 = arith.constant 0 : i32
    %dma_wait3A_214 = arith.constant 0 : i32
    %dma_wait3A_215 = tpu.memref_slice %arg2[%dma_wait3A_213, %dma_wait3A_214] : memref<57344x1024xf32, #tpu.memory_space<hbm>> -> memref<57344x1024xf32, #tpu.memory_space<hbm>>
    tpu.wait_indirect_dma semaphore(%arg18 : memref<!tpu.dma_semaphore, #tpu.memory_space<semaphore_mem>>) src(%dma_wait3A_215 : memref<57344x1024xf32, #tpu.memory_space<hbm>>) dst(%dma_wait3A_212 : memref<16x1024xf32, #tpu.memory_space<vmem>>)
    %add3A_216 = arith.constant 64 : i32
    %add3A_217 = arith.addi %mul3A_2, %add3A_216 : i32
    %dma_start3A_218 = arith.constant 0 : i32
    %dma_start3A_219 = arith.constant 0 : i32
    %dma_start3A_220 = arith.constant 0 : i32
    %dma_start3A_221 = tpu.memref_slice %arg12[%dma_start3A_219, %dma_start3A_220] : memref<16x1024xf32, #tpu.memory_space<vmem>> -> memref<16x1024xf32, #tpu.memory_space<vmem>>
    %dma_start3A_222 = arith.constant 0 : i32
    %dma_start3A_223 = tpu.memref_slice %arg5[%add3A_217, %dma_start3A_218, %dma_start3A_222] : memref<4096x1x1024xf32, #tpu.memory_space<hbm>> -> memref<16x1x1024xf32, #tpu.memory_space<hbm>>
    %dma_start3A_224 = tpu.memref_squeeze %dma_start3A_223 : memref<16x1x1024xf32, #tpu.memory_space<hbm>> -> memref<16x1024xf32, #tpu.memory_space<hbm>>
    %dma_start3A_225 = arith.constant 0 : i32
    %dma_start3A_226 = tpu.memref_slice %arg5[%add3A_217, %dma_start3A_218, %dma_start3A_225] : memref<4096x1x1024xf32, #tpu.memory_space<hbm>> -> memref<16x1x1024xf32, #tpu.memory_space<hbm>>
    %dma_start3A_227 = tpu.memref_squeeze %dma_start3A_226 : memref<16x1x1024xf32, #tpu.memory_space<hbm>> -> memref<16x1024xf32, #tpu.memory_space<hbm>>
    %dma_start3A_228 = arith.constant 0 : i32
    %dma_start3A_229 = arith.constant 0 : i32
    %dma_start3A_230 = tpu.memref_slice %arg12[%dma_start3A_228, %dma_start3A_229] : memref<16x1024xf32, #tpu.memory_space<vmem>> -> memref<16x1024xf32, #tpu.memory_space<vmem>>
    tpu.enqueue_dma source(%dma_start3A_230 : memref<16x1024xf32, #tpu.memory_space<vmem>>) target(%dma_start3A_227 : memref<16x1024xf32, #tpu.memory_space<hbm>>) target_semaphore(%arg24 : memref<!tpu.dma_semaphore, #tpu.memory_space<semaphore_mem>>)
    %dma_wait3A_231 = arith.constant 0 : i32
    %dma_wait3A_232 = arith.constant 0 : i32
    %dma_wait3A_233 = tpu.memref_slice %arg13[%dma_wait3A_231, %dma_wait3A_232] : memref<16x1024xf32, #tpu.memory_space<vmem>> -> memref<16x1024xf32, #tpu.memory_space<vmem>>
    %dma_wait3A_234 = arith.constant 0 : i32
    %dma_wait3A_235 = arith.constant 0 : i32
    %dma_wait3A_236 = tpu.memref_slice %arg2[%dma_wait3A_234, %dma_wait3A_235] : memref<57344x1024xf32, #tpu.memory_space<hbm>> -> memref<57344x1024xf32, #tpu.memory_space<hbm>>
    tpu.wait_indirect_dma semaphore(%arg19 : memref<!tpu.dma_semaphore, #tpu.memory_space<semaphore_mem>>) src(%dma_wait3A_236 : memref<57344x1024xf32, #tpu.memory_space<hbm>>) dst(%dma_wait3A_233 : memref<16x1024xf32, #tpu.memory_space<vmem>>)
    %add3A_237 = arith.constant 80 : i32
    %add3A_238 = arith.addi %mul3A_2, %add3A_237 : i32
    %dma_start3A_239 = arith.constant 0 : i32
    %dma_start3A_240 = arith.constant 0 : i32
    %dma_start3A_241 = arith.constant 0 : i32
    %dma_start3A_242 = tpu.memref_slice %arg13[%dma_start3A_240, %dma_start3A_241] : memref<16x1024xf32, #tpu.memory_space<vmem>> -> memref<16x1024xf32, #tpu.memory_space<vmem>>
    %dma_start3A_243 = arith.constant 0 : i32
    %dma_start3A_244 = tpu.memref_slice %arg5[%add3A_238, %dma_start3A_239, %dma_start3A_243] : memref<4096x1x1024xf32, #tpu.memory_space<hbm>> -> memref<16x1x1024xf32, #tpu.memory_space<hbm>>
    %dma_start3A_245 = tpu.memref_squeeze %dma_start3A_244 : memref<16x1x1024xf32, #tpu.memory_space<hbm>> -> memref<16x1024xf32, #tpu.memory_space<hbm>>
    %dma_start3A_246 = arith.constant 0 : i32
    %dma_start3A_247 = tpu.memref_slice %arg5[%add3A_238, %dma_start3A_239, %dma_start3A_246] : memref<4096x1x1024xf32, #tpu.memory_space<hbm>> -> memref<16x1x1024xf32, #tpu.memory_space<hbm>>
    %dma_start3A_248 = tpu.memref_squeeze %dma_start3A_247 : memref<16x1x1024xf32, #tpu.memory_space<hbm>> -> memref<16x1024xf32, #tpu.memory_space<hbm>>
    %dma_start3A_249 = arith.constant 0 : i32
    %dma_start3A_250 = arith.constant 0 : i32
    %dma_start3A_251 = tpu.memref_slice %arg13[%dma_start3A_249, %dma_start3A_250] : memref<16x1024xf32, #tpu.memory_space<vmem>> -> memref<16x1024xf32, #tpu.memory_space<vmem>>
    tpu.enqueue_dma source(%dma_start3A_251 : memref<16x1024xf32, #tpu.memory_space<vmem>>) target(%dma_start3A_248 : memref<16x1024xf32, #tpu.memory_space<hbm>>) target_semaphore(%arg25 : memref<!tpu.dma_semaphore, #tpu.memory_space<semaphore_mem>>)
    %dma_wait3A_252 = arith.constant 0 : i32
    %dma_wait3A_253 = arith.constant 0 : i32
    %dma_wait3A_254 = tpu.memref_slice %arg8[%dma_wait3A_252, %dma_wait3A_253] : memref<16x1024xf32, #tpu.memory_space<vmem>> -> memref<16x1024xf32, #tpu.memory_space<vmem>>
    %dma_wait3A_255 = arith.constant 0 : i32
    %dma_wait3A_256 = arith.constant 0 : i32
    %dma_wait3A_257 = tpu.memref_slice %arg2[%dma_wait3A_255, %dma_wait3A_256] : memref<57344x1024xf32, #tpu.memory_space<hbm>> -> memref<57344x1024xf32, #tpu.memory_space<hbm>>
    tpu.wait_indirect_dma semaphore(%arg14 : memref<!tpu.dma_semaphore, #tpu.memory_space<semaphore_mem>>) src(%dma_wait3A_257 : memref<57344x1024xf32, #tpu.memory_space<hbm>>) dst(%dma_wait3A_254 : memref<16x1024xf32, #tpu.memory_space<vmem>>)
    %add3A_258 = arith.constant 96 : i32
    %add3A_259 = arith.addi %mul3A_2, %add3A_258 : i32
    %dma_start3A_260 = arith.constant 0 : i32
    %dma_start3A_261 = arith.constant 0 : i32
    %dma_start3A_262 = arith.constant 0 : i32
    %dma_start3A_263 = tpu.memref_slice %arg8[%dma_start3A_261, %dma_start3A_262] : memref<16x1024xf32, #tpu.memory_space<vmem>> -> memref<16x1024xf32, #tpu.memory_space<vmem>>
    %dma_start3A_264 = arith.constant 0 : i32
    %dma_start3A_265 = tpu.memref_slice %arg5[%add3A_259, %dma_start3A_260, %dma_start3A_264] : memref<4096x1x1024xf32, #tpu.memory_space<hbm>> -> memref<16x1x1024xf32, #tpu.memory_space<hbm>>
    %dma_start3A_266 = tpu.memref_squeeze %dma_start3A_265 : memref<16x1x1024xf32, #tpu.memory_space<hbm>> -> memref<16x1024xf32, #tpu.memory_space<hbm>>
    %dma_start3A_267 = arith.constant 0 : i32
    %dma_start3A_268 = tpu.memref_slice %arg5[%add3A_259, %dma_start3A_260, %dma_start3A_267] : memref<4096x1x1024xf32, #tpu.memory_space<hbm>> -> memref<16x1x1024xf32, #tpu.memory_space<hbm>>
    %dma_start3A_269 = tpu.memref_squeeze %dma_start3A_268 : memref<16x1x1024xf32, #tpu.memory_space<hbm>> -> memref<16x1024xf32, #tpu.memory_space<hbm>>
    %dma_start3A_270 = arith.constant 0 : i32
    %dma_start3A_271 = arith.constant 0 : i32
    %dma_start3A_272 = tpu.memref_slice %arg8[%dma_start3A_270, %dma_start3A_271] : memref<16x1024xf32, #tpu.memory_space<vmem>> -> memref<16x1024xf32, #tpu.memory_space<vmem>>
    tpu.enqueue_dma source(%dma_start3A_272 : memref<16x1024xf32, #tpu.memory_space<vmem>>) target(%dma_start3A_269 : memref<16x1024xf32, #tpu.memory_space<hbm>>) target_semaphore(%arg20 : memref<!tpu.dma_semaphore, #tpu.memory_space<semaphore_mem>>)
    %dma_wait3A_273 = arith.constant 0 : i32
    %dma_wait3A_274 = arith.constant 0 : i32
    %dma_wait3A_275 = tpu.memref_slice %arg9[%dma_wait3A_273, %dma_wait3A_274] : memref<16x1024xf32, #tpu.memory_space<vmem>> -> memref<16x1024xf32, #tpu.memory_space<vmem>>
    %dma_wait3A_276 = arith.constant 0 : i32
    %dma_wait3A_277 = arith.constant 0 : i32
    %dma_wait3A_278 = tpu.memref_slice %arg2[%dma_wait3A_276, %dma_wait3A_277] : memref<57344x1024xf32, #tpu.memory_space<hbm>> -> memref<57344x1024xf32, #tpu.memory_space<hbm>>
    tpu.wait_indirect_dma semaphore(%arg15 : memref<!tpu.dma_semaphore, #tpu.memory_space<semaphore_mem>>) src(%dma_wait3A_278 : memref<57344x1024xf32, #tpu.memory_space<hbm>>) dst(%dma_wait3A_275 : memref<16x1024xf32, #tpu.memory_space<vmem>>)
    %add3A_279 = arith.constant 112 : i32
    %add3A_280 = arith.addi %mul3A_2, %add3A_279 : i32
    %dma_start3A_281 = arith.constant 0 : i32
    %dma_start3A_282 = arith.constant 0 : i32
    %dma_start3A_283 = arith.constant 0 : i32
    %dma_start3A_284 = tpu.memref_slice %arg9[%dma_start3A_282, %dma_start3A_283] : memref<16x1024xf32, #tpu.memory_space<vmem>> -> memref<16x1024xf32, #tpu.memory_space<vmem>>
    %dma_start3A_285 = arith.constant 0 : i32
    %dma_start3A_286 = tpu.memref_slice %arg5[%add3A_280, %dma_start3A_281, %dma_start3A_285] : memref<4096x1x1024xf32, #tpu.memory_space<hbm>> -> memref<16x1x1024xf32, #tpu.memory_space<hbm>>
    %dma_start3A_287 = tpu.memref_squeeze %dma_start3A_286 : memref<16x1x1024xf32, #tpu.memory_space<hbm>> -> memref<16x1024xf32, #tpu.memory_space<hbm>>
    %dma_start3A_288 = arith.constant 0 : i32
    %dma_start3A_289 = tpu.memref_slice %arg5[%add3A_280, %dma_start3A_281, %dma_start3A_288] : memref<4096x1x1024xf32, #tpu.memory_space<hbm>> -> memref<16x1x1024xf32, #tpu.memory_space<hbm>>
    %dma_start3A_290 = tpu.memref_squeeze %dma_start3A_289 : memref<16x1x1024xf32, #tpu.memory_space<hbm>> -> memref<16x1024xf32, #tpu.memory_space<hbm>>
    %dma_start3A_291 = arith.constant 0 : i32
    %dma_start3A_292 = arith.constant 0 : i32
    %dma_start3A_293 = tpu.memref_slice %arg9[%dma_start3A_291, %dma_start3A_292] : memref<16x1024xf32, #tpu.memory_space<vmem>> -> memref<16x1024xf32, #tpu.memory_space<vmem>>
    tpu.enqueue_dma source(%dma_start3A_293 : memref<16x1024xf32, #tpu.memory_space<vmem>>) target(%dma_start3A_290 : memref<16x1024xf32, #tpu.memory_space<hbm>>) target_semaphore(%arg21 : memref<!tpu.dma_semaphore, #tpu.memory_space<semaphore_mem>>)
    %dma_wait3A_294 = arith.constant 0 : i32
    %dma_wait3A_295 = arith.constant 0 : i32
    %dma_wait3A_296 = arith.constant 0 : i32
    %dma_wait3A_297 = tpu.memref_slice %arg10[%dma_wait3A_295, %dma_wait3A_296] : memref<16x1024xf32, #tpu.memory_space<vmem>> -> memref<16x1024xf32, #tpu.memory_space<vmem>>
    %dma_wait3A_298 = arith.constant 0 : i32
    %dma_wait3A_299 = tpu.memref_slice %arg5[%add3A_175, %dma_wait3A_294, %dma_wait3A_298] : memref<4096x1x1024xf32, #tpu.memory_space<hbm>> -> memref<16x1x1024xf32, #tpu.memory_space<hbm>>
    %dma_wait3A_300 = tpu.memref_squeeze %dma_wait3A_299 : memref<16x1x1024xf32, #tpu.memory_space<hbm>> -> memref<16x1024xf32, #tpu.memory_space<hbm>>
    %dma_wait3A_301 = arith.constant 0 : i32
    %dma_wait3A_302 = tpu.memref_slice %arg5[%add3A_175, %dma_wait3A_294, %dma_wait3A_301] : memref<4096x1x1024xf32, #tpu.memory_space<hbm>> -> memref<16x1x1024xf32, #tpu.memory_space<hbm>>
    %dma_wait3A_303 = tpu.memref_squeeze %dma_wait3A_302 : memref<16x1x1024xf32, #tpu.memory_space<hbm>> -> memref<16x1024xf32, #tpu.memory_space<hbm>>
    %dma_wait3A_304 = arith.constant 0 : i32
    %dma_wait3A_305 = arith.constant 0 : i32
    %dma_wait3A_306 = tpu.memref_slice %arg10[%dma_wait3A_304, %dma_wait3A_305] : memref<16x1024xf32, #tpu.memory_space<vmem>> -> memref<16x1024xf32, #tpu.memory_space<vmem>>
    tpu.wait_dma2 semaphore(%arg22 : memref<!tpu.dma_semaphore, #tpu.memory_space<semaphore_mem>>) src(%dma_wait3A_306 : memref<16x1024xf32, #tpu.memory_space<vmem>>) dst(%dma_wait3A_303 : memref<16x1024xf32, #tpu.memory_space<hbm>>)
    %dma_wait3A_307 = arith.constant 0 : i32
    %dma_wait3A_308 = arith.constant 0 : i32
    %dma_wait3A_309 = arith.constant 0 : i32
    %dma_wait3A_310 = tpu.memref_slice %arg11[%dma_wait3A_308, %dma_wait3A_309] : memref<16x1024xf32, #tpu.memory_space<vmem>> -> memref<16x1024xf32, #tpu.memory_space<vmem>>
    %dma_wait3A_311 = arith.constant 0 : i32
    %dma_wait3A_312 = tpu.memref_slice %arg5[%add3A_196, %dma_wait3A_307, %dma_wait3A_311] : memref<4096x1x1024xf32, #tpu.memory_space<hbm>> -> memref<16x1x1024xf32, #tpu.memory_space<hbm>>
    %dma_wait3A_313 = tpu.memref_squeeze %dma_wait3A_312 : memref<16x1x1024xf32, #tpu.memory_space<hbm>> -> memref<16x1024xf32, #tpu.memory_space<hbm>>
    %dma_wait3A_314 = arith.constant 0 : i32
    %dma_wait3A_315 = tpu.memref_slice %arg5[%add3A_196, %dma_wait3A_307, %dma_wait3A_314] : memref<4096x1x1024xf32, #tpu.memory_space<hbm>> -> memref<16x1x1024xf32, #tpu.memory_space<hbm>>
    %dma_wait3A_316 = tpu.memref_squeeze %dma_wait3A_315 : memref<16x1x1024xf32, #tpu.memory_space<hbm>> -> memref<16x1024xf32, #tpu.memory_space<hbm>>
    %dma_wait3A_317 = arith.constant 0 : i32
    %dma_wait3A_318 = arith.constant 0 : i32
    %dma_wait3A_319 = tpu.memref_slice %arg11[%dma_wait3A_317, %dma_wait3A_318] : memref<16x1024xf32, #tpu.memory_space<vmem>> -> memref<16x1024xf32, #tpu.memory_space<vmem>>
    tpu.wait_dma2 semaphore(%arg23 : memref<!tpu.dma_semaphore, #tpu.memory_space<semaphore_mem>>) src(%dma_wait3A_319 : memref<16x1024xf32, #tpu.memory_space<vmem>>) dst(%dma_wait3A_316 : memref<16x1024xf32, #tpu.memory_space<hbm>>)
    %dma_wait3A_320 = arith.constant 0 : i32
    %dma_wait3A_321 = arith.constant 0 : i32
    %dma_wait3A_322 = arith.constant 0 : i32
    %dma_wait3A_323 = tpu.memref_slice %arg12[%dma_wait3A_321, %dma_wait3A_322] : memref<16x1024xf32, #tpu.memory_space<vmem>> -> memref<16x1024xf32, #tpu.memory_space<vmem>>
    %dma_wait3A_324 = arith.constant 0 : i32
    %dma_wait3A_325 = tpu.memref_slice %arg5[%add3A_217, %dma_wait3A_320, %dma_wait3A_324] : memref<4096x1x1024xf32, #tpu.memory_space<hbm>> -> memref<16x1x1024xf32, #tpu.memory_space<hbm>>
    %dma_wait3A_326 = tpu.memref_squeeze %dma_wait3A_325 : memref<16x1x1024xf32, #tpu.memory_space<hbm>> -> memref<16x1024xf32, #tpu.memory_space<hbm>>
    %dma_wait3A_327 = arith.constant 0 : i32
    %dma_wait3A_328 = tpu.memref_slice %arg5[%add3A_217, %dma_wait3A_320, %dma_wait3A_327] : memref<4096x1x1024xf32, #tpu.memory_space<hbm>> -> memref<16x1x1024xf32, #tpu.memory_space<hbm>>
    %dma_wait3A_329 = tpu.memref_squeeze %dma_wait3A_328 : memref<16x1x1024xf32, #tpu.memory_space<hbm>> -> memref<16x1024xf32, #tpu.memory_space<hbm>>
    %dma_wait3A_330 = arith.constant 0 : i32
    %dma_wait3A_331 = arith.constant 0 : i32
    %dma_wait3A_332 = tpu.memref_slice %arg12[%dma_wait3A_330, %dma_wait3A_331] : memref<16x1024xf32, #tpu.memory_space<vmem>> -> memref<16x1024xf32, #tpu.memory_space<vmem>>
    tpu.wait_dma2 semaphore(%arg24 : memref<!tpu.dma_semaphore, #tpu.memory_space<semaphore_mem>>) src(%dma_wait3A_332 : memref<16x1024xf32, #tpu.memory_space<vmem>>) dst(%dma_wait3A_329 : memref<16x1024xf32, #tpu.memory_space<hbm>>)
    %dma_wait3A_333 = arith.constant 0 : i32
    %dma_wait3A_334 = arith.constant 0 : i32
    %dma_wait3A_335 = arith.constant 0 : i32
    %dma_wait3A_336 = tpu.memref_slice %arg13[%dma_wait3A_334, %dma_wait3A_335] : memref<16x1024xf32, #tpu.memory_space<vmem>> -> memref<16x1024xf32, #tpu.memory_space<vmem>>
    %dma_wait3A_337 = arith.constant 0 : i32
    %dma_wait3A_338 = tpu.memref_slice %arg5[%add3A_238, %dma_wait3A_333, %dma_wait3A_337] : memref<4096x1x1024xf32, #tpu.memory_space<hbm>> -> memref<16x1x1024xf32, #tpu.memory_space<hbm>>
    %dma_wait3A_339 = tpu.memref_squeeze %dma_wait3A_338 : memref<16x1x1024xf32, #tpu.memory_space<hbm>> -> memref<16x1024xf32, #tpu.memory_space<hbm>>
    %dma_wait3A_340 = arith.constant 0 : i32
    %dma_wait3A_341 = tpu.memref_slice %arg5[%add3A_238, %dma_wait3A_333, %dma_wait3A_340] : memref<4096x1x1024xf32, #tpu.memory_space<hbm>> -> memref<16x1x1024xf32, #tpu.memory_space<hbm>>
    %dma_wait3A_342 = tpu.memref_squeeze %dma_wait3A_341 : memref<16x1x1024xf32, #tpu.memory_space<hbm>> -> memref<16x1024xf32, #tpu.memory_space<hbm>>
    %dma_wait3A_343 = arith.constant 0 : i32
    %dma_wait3A_344 = arith.constant 0 : i32
    %dma_wait3A_345 = tpu.memref_slice %arg13[%dma_wait3A_343, %dma_wait3A_344] : memref<16x1024xf32, #tpu.memory_space<vmem>> -> memref<16x1024xf32, #tpu.memory_space<vmem>>
    tpu.wait_dma2 semaphore(%arg25 : memref<!tpu.dma_semaphore, #tpu.memory_space<semaphore_mem>>) src(%dma_wait3A_345 : memref<16x1024xf32, #tpu.memory_space<vmem>>) dst(%dma_wait3A_342 : memref<16x1024xf32, #tpu.memory_space<hbm>>)
    %dma_wait3A_346 = arith.constant 0 : i32
    %dma_wait3A_347 = arith.constant 0 : i32
    %dma_wait3A_348 = arith.constant 0 : i32
    %dma_wait3A_349 = tpu.memref_slice %arg8[%dma_wait3A_347, %dma_wait3A_348] : memref<16x1024xf32, #tpu.memory_space<vmem>> -> memref<16x1024xf32, #tpu.memory_space<vmem>>
    %dma_wait3A_350 = arith.constant 0 : i32
    %dma_wait3A_351 = tpu.memref_slice %arg5[%add3A_259, %dma_wait3A_346, %dma_wait3A_350] : memref<4096x1x1024xf32, #tpu.memory_space<hbm>> -> memref<16x1x1024xf32, #tpu.memory_space<hbm>>
    %dma_wait3A_352 = tpu.memref_squeeze %dma_wait3A_351 : memref<16x1x1024xf32, #tpu.memory_space<hbm>> -> memref<16x1024xf32, #tpu.memory_space<hbm>>
    %dma_wait3A_353 = arith.constant 0 : i32
    %dma_wait3A_354 = tpu.memref_slice %arg5[%add3A_259, %dma_wait3A_346, %dma_wait3A_353] : memref<4096x1x1024xf32, #tpu.memory_space<hbm>> -> memref<16x1x1024xf32, #tpu.memory_space<hbm>>
    %dma_wait3A_355 = tpu.memref_squeeze %dma_wait3A_354 : memref<16x1x1024xf32, #tpu.memory_space<hbm>> -> memref<16x1024xf32, #tpu.memory_space<hbm>>
    %dma_wait3A_356 = arith.constant 0 : i32
    %dma_wait3A_357 = arith.constant 0 : i32
    %dma_wait3A_358 = tpu.memref_slice %arg8[%dma_wait3A_356, %dma_wait3A_357] : memref<16x1024xf32, #tpu.memory_space<vmem>> -> memref<16x1024xf32, #tpu.memory_space<vmem>>
    tpu.wait_dma2 semaphore(%arg20 : memref<!tpu.dma_semaphore, #tpu.memory_space<semaphore_mem>>) src(%dma_wait3A_358 : memref<16x1024xf32, #tpu.memory_space<vmem>>) dst(%dma_wait3A_355 : memref<16x1024xf32, #tpu.memory_space<hbm>>)
    %dma_wait3A_359 = arith.constant 0 : i32
    %dma_wait3A_360 = arith.constant 0 : i32
    %dma_wait3A_361 = arith.constant 0 : i32
    %dma_wait3A_362 = tpu.memref_slice %arg9[%dma_wait3A_360, %dma_wait3A_361] : memref<16x1024xf32, #tpu.memory_space<vmem>> -> memref<16x1024xf32, #tpu.memory_space<vmem>>
    %dma_wait3A_363 = arith.constant 0 : i32
    %dma_wait3A_364 = tpu.memref_slice %arg5[%add3A_280, %dma_wait3A_359, %dma_wait3A_363] : memref<4096x1x1024xf32, #tpu.memory_space<hbm>> -> memref<16x1x1024xf32, #tpu.memory_space<hbm>>
    %dma_wait3A_365 = tpu.memref_squeeze %dma_wait3A_364 : memref<16x1x1024xf32, #tpu.memory_space<hbm>> -> memref<16x1024xf32, #tpu.memory_space<hbm>>
    %dma_wait3A_366 = arith.constant 0 : i32
    %dma_wait3A_367 = tpu.memref_slice %arg5[%add3A_280, %dma_wait3A_359, %dma_wait3A_366] : memref<4096x1x1024xf32, #tpu.memory_space<hbm>> -> memref<16x1x1024xf32, #tpu.memory_space<hbm>>
    %dma_wait3A_368 = tpu.memref_squeeze %dma_wait3A_367 : memref<16x1x1024xf32, #tpu.memory_space<hbm>> -> memref<16x1024xf32, #tpu.memory_space<hbm>>
    %dma_wait3A_369 = arith.constant 0 : i32
    %dma_wait3A_370 = arith.constant 0 : i32
    %dma_wait3A_371 = tpu.memref_slice %arg9[%dma_wait3A_369, %dma_wait3A_370] : memref<16x1024xf32, #tpu.memory_space<vmem>> -> memref<16x1024xf32, #tpu.memory_space<vmem>>
    tpu.wait_dma2 semaphore(%arg21 : memref<!tpu.dma_semaphore, #tpu.memory_space<semaphore_mem>>) src(%dma_wait3A_371 : memref<16x1024xf32, #tpu.memory_space<vmem>>) dst(%dma_wait3A_368 : memref<16x1024xf32, #tpu.memory_space<hbm>>)
    return
  }
}

</mosaic_0001>

<sc_bundles>
// kernel: kernel.3.cloned.1.call-start
scs
__scs_entry_jumppad:
0x0: {  	(pc) =	sbr.rel $0x88, $3  }
0x1: {  	(tag) =	ssettag $0x0;
	lr =	simm.s32 $0x1  }
0x2: {  	[smem:$0x3F9E] =	sst lr;
	_ =	strace $0xD0000000  }
0x3: {  	_ = 	snop  }
0x4: {  	_ = 	snop  }
0x5: {  	_ = 	snop  }
0x6: {  	_ = 	snop  }
0x7: {  	_ = 	snop  }
__scs_overlays_trampoline_lowered:
0x8: {  	[smem:$0x3FAD] =	sst s0  }
0x9: {  	[smem:$0x3FAE] =	sst s1  }
0xa: {  	[smem:$0x3FAF] =	sst s2  }
0xb: {  	[smem:$0x3FB0] =	sst s3  }
0xc: {  	[smem:$0x3FB1] =	sst s4  }
0xd: {  	[smem:$0x3FB2] =	sst s5  }
0xe: {  	[smem:$0x3FB3] =	sst s6  }
0xf: {  	[smem:$0x3FB4] =	sst s7  }
0x10: {  	[smem:$0x3FB5] =	sst s8  }
0x11: {  	[smem:$0x3FB6] =	sst s9;
	s0 =	simm.s32 @!p0 $0x0  }
0x12: {  	s1 =	sld [smem:$0x3F9C];
	s0 =	simm.s32 @p0 $0x1  }
0x13: {  	[smem:$0x3FB7] =	sst s0;
	s0 =	simm.s32 @!p1 $0x0  }
0x14: {  	s2 =	sld [smem:$0x3F9B];
	s0 =	simm.s32 @p1 $0x1  }
0x15: {  	[smem:$0x3FB8] =	sst s0;
	s0 =	simm.s32 @!p2 $0x0  }
0x16: {  	s3 =	sld [smem:$0x3FDB];
	s0 =	simm.s32 @p2 $0x1  }
0x17: {  	s4 =	simm.s32 $0x1BF5;
	[smem:$0x3FBA] =	sst s0  }
0x18: {  	s0 =	sld [smem:$0x3F9D];
	_ =	swait.ge [sflag:s4], $0x0  }
0x19: {  	s7 =	sld [smem:$0x3F9E]  }
0x1a: {  	s8 =	sadd.s32 $0xFFFFE003, lr  }
0x1b: {  	s9 =	sadd.s32 $0xFFFFFEF7, lr;
	s5 =	simm.s32 $0xFFFFFFFF;
	p2 =	slt.u32 s8, $0xFFFFF086  }
0x1c: {  	p1 =	slt.u32 s9, $0xF7A;
	s5 =	simm.s32 @!p2 $0x0  }
0x1d: {  	s5 =	simm.s32 @p1 $0x1;
	p0 =	seq.s32 s7, s2  }
0x1e: {  	s7 =	smul.u32 @!p0 $0xF7A, s2;
	p2 =	seq.s32 @!p0 s5, $0x0  }
0x1f: {  	s9 =	smul.u32 $0xF7A, s1;
	s8 =	simm.s32 @!p0 $0x1BF5;
	p2 =	por !p2, p0  }
0x20: {  	[sflag:s8] =	ssyncset.s32 @!p0 $0xFFFFF086;
	s6 =	sadd.s32 @!p0 s3, s7;
	s7 =	simm.s32 @!p0 $0x108  }
0x21: {  	s3 =	sadd.s32 s3, s9;
	s6 =	sadd.s32 @!p0 $0x88, s6;
	s7 =	simm.s32 @p2 $0x1082  }
0x22: {  	[simem:s7], [sflag:s8] =	dma.local @!p0 [hbm:s6], $0xF7A  }
0x23: {  	s9 =	sor.u32 $0xD0000000, s2;
	s6 =	simm.s32 $0x108;
	_ =	swait.ge @!p0 [sflag:s8], $0x0  }
0x24: {  	s3 =	sadd.s32 $0x88, s3;
	s6 =	simm.s32 @!p1 $0x1082;
	[sflag:s4] =	ssyncset.s32 $0xFFFFF086  }
0x25: {  	[simem:s6], [sflag:s4] =	dma.local [hbm:s3], $0xF7A  }
0x26: {  	[smem:$0x3F9E] =	sst s1;
	(tag) =	ssettag s2;
	_ =	strace s9  }
0x27: {  	s1 =	sld [smem:$0x3FAE]  }
0x28: {  	s2 =	sld [smem:$0x3FAF]  }
0x29: {  	s4 =	sld [smem:$0x3FB1]  }
0x2a: {  	p0 =	seq.s32 s5, $0x0;
	s5 =	sld [smem:$0x3FB2]  }
0x2b: {  	s6 =	sld [smem:$0x3FB3]  }
0x2c: {  	s7 =	sld [smem:$0x3FB4]  }
0x2d: {  	s3 =	simm.s32 $0x108;
	s8 =	sld [smem:$0x3FB5]  }
0x2e: {  	s3 =	simm.s32 @!p0 $0x1082;
	s9 =	sld [smem:$0x3FB6]  }
0x2f: {  	lr =	sadd.s32 s0, s3;
	s0 =	sld [smem:$0x3FAD]  }
0x30: {  	s3 =	sld [smem:$0x3FB0]  }
0x31: {  	[smem:$0x3FB9] =	sst s10  }
0x32: {  	s10 =	sld [smem:$0x3FB7];
	_ =	sdelay $0x3  }
0x33: {  	p0 =	seq.s32 s10, $0x1;
	s10 =	sld [smem:$0x3FB9];
	_ =	sdelay $0x3  }
0x34: {  	[smem:$0x3FB9] =	sst s10  }
0x35: {  	s10 =	sld [smem:$0x3FB8];
	_ =	sdelay $0x3  }
0x36: {  	p1 =	seq.s32 s10, $0x1;
	s10 =	sld [smem:$0x3FB9];
	_ =	sdelay $0x3  }
0x37: {  	[smem:$0x3FB9] =	sst s10  }
0x38: {  	s10 =	sld [smem:$0x3FBA]  }
0x39: {  	_ = 	snop;
	(pc) =	sbr.ind lr, $3  }
0x3a: {  	_ = 	snop  }
0x3b: {  	_ = 	snop  }
0x3c: {  	p2 =	seq.s32 s10, $0x1;
	s10 =	sld [smem:$0x3FB9]  }
0x3d: {  	_ =	shalt  }
0x3e: {  	_ =	shalt  }
0x3f: {  	_ =	shalt  }
0x40: {  	_ =	shalt  }
0x41: {  	_ =	shalt  }
0x42: {  	_ =	shalt  }
0x43: {  	_ =	shalt  }
0x44: {  	_ =	shalt  }
0x45: {  	_ =	shalt  }
0x46: {  	_ =	shalt  }
0x47: {  	_ =	shalt  }
0x48: {  	_ =	shalt  }
0x49: {  	_ =	shalt  }
0x4a: {  	_ =	shalt  }
0x4b: {  	_ =	shalt  }
0x4c: {  	_ =	shalt  }
0x4d: {  	_ =	shalt  }
0x4e: {  	_ =	shalt  }
0x4f: {  	_ =	shalt  }
0x50: {  	_ =	shalt  }
0x51: {  	_ =	shalt  }
0x52: {  	_ =	shalt  }
0x53: {  	_ =	shalt  }
0x54: {  	_ =	shalt  }
0x55: {  	_ =	shalt  }
0x56: {  	_ =	shalt  }
0x57: {  	_ =	shalt  }
0x58: {  	_ =	shalt  }
0x59: {  	_ =	shalt  }
0x5a: {  	_ =	shalt  }
0x5b: {  	_ =	shalt  }
0x5c: {  	_ =	shalt  }
0x5d: {  	_ =	shalt  }
0x5e: {  	_ =	shalt  }
0x5f: {  	_ =	shalt  }
0x60: {  	_ =	shalt  }
0x61: {  	_ =	shalt  }
0x62: {  	_ =	shalt  }
0x63: {  	_ =	shalt  }
0x64: {  	_ =	shalt  }
0x65: {  	_ =	shalt  }
0x66: {  	_ =	shalt  }
0x67: {  	_ =	shalt  }
0x68: {  	_ =	shalt  }
0x69: {  	_ =	shalt  }
0x6a: {  	_ =	shalt  }
0x6b: {  	_ =	shalt  }
0x6c: {  	_ =	shalt  }
0x6d: {  	_ =	shalt  }
0x6e: {  	_ =	shalt  }
0x6f: {  	_ =	shalt  }
0x70: {  	_ =	shalt  }
0x71: {  	_ =	shalt  }
0x72: {  	_ =	shalt  }
0x73: {  	_ =	shalt  }
0x74: {  	_ =	shalt  }
0x75: {  	_ =	shalt  }
0x76: {  	_ =	shalt  }
0x77: {  	_ =	shalt  }
0x78: {  	_ =	shalt  }
0x79: {  	_ =	shalt  }
0x7a: {  	_ =	shalt  }
0x7b: {  	_ =	shalt  }
0x7c: {  	_ =	shalt  }
0x7d: {  	_ =	shalt  }
0x7e: {  	_ =	shalt  }
0x7f: {  	_ =	shalt  }
0x80: {  	_ =	shalt  }
0x81: {  	_ =	shalt  }
0x82: {  	_ =	shalt  }
0x83: {  	_ =	shalt  }
0x84: {  	_ =	shalt  }
0x85: {  	_ =	shalt  }
0x86: {  	_ =	shalt  }
0x87: {  	_ =	shalt  }
.Lfunc_end0:
.L_simem_size_0:
called_computation_lowered:
.L_overlay_start_0:
0x88: {  	s2 =	sld [smem:$0x3FD9]  }
0x89: {  	s3 =	sld [smem:$0x3FFE];
	_ =	sdelay $0x1  }
0x8a: {  	s1 =	srdreg.scid  }
0x8b: {  	s0 =	sand.u32 $0x1, s1  }
0x8c: {  	s18 =	sshll.u32 s0, $0xA;
	s2 =	sadd.s32 s3, s2  }
0x8d: {  	s2 =	sadd.s32 s2, s18  }
0x8e: {  	[smem:$0x3FC5] =	sst s2  }
0x8f: {  	_ = 	snop  }
0x90: {  	s2 =	sld [smem:$0x3FC9]  }
0x91: {  	s19 =	sld [smem:$0x3FC8]  }
0x92: {  	s4 =	sld [smem:$0x3FC7]  }
0x93: {  	s5 =	sld [smem:$0x3FD0];
	(tm) =	ssettm $0x1  }
0x94: {  	s6 =	sld [smem:$0x3FFB];
	_ =	sdelay $0x3  }
0x95: {  	_ =	strace s6  }
0x96: {  	s6 =	sld [smem:$0x3FFC];
	_ =	sdelay $0x3  }
0x97: {  	_ =	strace s6  }
0x98: {  	s6 =	sld [smem:$0x3FFD];
	_ =	sdelay $0x3  }
0x99: {  	_ =	strace s6  }
0x9a: {  	_ =	strace $0x8FFFFFFF  }
0x9b: {  	s20 =	sld [smem:$0x3FDB];
	_ =	sdelay $0x1  }
0x9c: {  	s7 =	simm.s32 $_scs_section_size  }
0x9d: {  	s8 =	simm.s32 $_size__tile_overlayer_lowered;
	s9 =	simm.s32 $_tile_overlayer_lowered  }
0x9e: {  	s23 =	simm.s32 $0x1BFF;
	s22 =	sshll.u32 s9, $0x1;
	s6 =	sadd.s32 s7, s20  }
0x9f: {  	s10 =	simm.s32 $0x0;
	s21 =	sshll.u32 s8, $0x1;
	s8 =	sadd.s32 s22, s6  }
0xa0: {  	[timem:s10], [sflag:s23] =	dma.local [hbm:s8], s21  }
0xa1: {  	_ =	swait.ge [sflag:s23], s21  }
0xa2: {  	s7 =	ssub.s32 $0x0, s21;
	[sflag:s23] =	ssyncset.done $0x0  }
0xa3: {  	[sflag:s23] =	ssyncadd.s32 s7;
	_ =	sdelay $0x1  }
0xa4: {  	s24 =	simm.s32 $0x1B8B  }
0xa5: {  	_ =	swait.ge [sflag:s24], $0x1  }
0xa6: {  	[sflag:s24] =	ssyncset.done $0x0  }
0xa7: {  	s25 =	simm.s32 $0x1B8E;
	[sflag:s24] =	ssyncadd.s32 $0xFFFFFFFF  }
0xa8: {  	s26 =	simm.s32 $execute0_lowered;
	[smem:$0x3FD2] =	sst s25  }
0xa9: {  	s7 =	sshll.u32 s26, $0x1;
	_ =	strace $0x80000046;
	[dreg:$0x1] =	wrdreg $0xFFFFFFFF  }
0xaa: {  	s28 =	simm.s32 $_size_execute0_lowered;
	s6 =	sadd.s32 s6, s7;
	[dreg:$0x0] =	wrdreg $0x0  }
0xab: {  	s7 =	sshll.u32 s28, $0x1;
	[dreg:$0x2] =	wrdreg s6  }
0xac: {  	[dreg:$0x3] =	wrdreg s7  }
0xad: {  	[dreg:$0x4] =	wrdreg $0xC0  }
0xae: {  	_ =	task [dreg:s10], $0x5FFFF  }
0xaf: {  	[dreg:$0x1] =	wrdreg $0xFFFFFFFF  }
0xb0: {  	[dreg:$0x0] =	wrdreg $0x60  }
0xb1: {  	[dreg:$0x2] =	wrdreg s2  }
0xb2: {  	[dreg:$0x3] =	wrdreg s19  }
0xb3: {  	[dreg:$0x4] =	wrdreg s4  }
0xb4: {  	[dreg:$0x5] =	wrdreg s5  }
0xb5: {  	[dreg:$0x6] =	wrdreg $0x9  }
0xb6: {  	_ =	task.clear_ibuf [dreg:s10], $0x7FFFF;
	_ =	strace $0x90000046  }
0xb7: {  	s29 =	simm.s32 $0x9;
	_ =	strace $0x80000048  }
0xb8: {  	_ =	swait.ge [sflag:s29], $0x1  }
0xb9: {  	[sflag:s29] =	ssyncadd.s32 $0xFFFFFFFF  }
0xba: {  	_ =	strace $0x90000048  }
0xbb: {  	_ =	sfence  }
0xbc: {  	s30 =	sld [smem:$0x0];
	_ =	sdelay $0x2  }
0xbd: {  	s31 =	sshll.u32 s1, $0xD;
	s1 =	sshrl.u32 s1, $0x2  }
0xbe: {  	s3 =	sand.u32 $0x4000, s31;
	s1 =	sadd.s32 s1, s30  }
0xbf: {  	s0 =	sor.u32 s3, s0;
	s1 =	sshll.u32 s1, $0x11  }
0xc0: {  	s0 =	sor.u32 s1, s0  }
0xc1: {  	s0 =	sadd.s32 $0x8F2B, s0  }
0xc2: {  	[sflag:s0] =	ssyncadd.remote.s32 $0x1  }
0xc3: {  	_ =	sfence.sel $0xFFFF  }
0xc4: {  	[dreg:$0x0] =	wrdreg $0xFFFFFFFF;
	(pc) =	sbr.abs _section_cstart, $3  }
0xc5: {  	[dreg:$0x1] =	wrdreg $0xFFFFFFFF  }
0xc6: {  	_ =	task.clear_ibuf [dreg:s10], $0x2FFFF;
	_ =	strace $0x9FFFFFFF  }
0xc7: {  	(tm) =	ssettm $0x7FFFFFFF  }
tec
execute0_lowered:
.L_overlay_start_1:
0x0: {  	(tag) =	ssettag $0x1  }
0x1: {  	s0 =	rddreg [dreg:$0x0]  }
0x2: {  	s1 =	rddreg [dreg:$0x1]  }
0x3: {  	s2 =	rddreg [dreg:$0x2]  }
0x4: {  	s3 =	srdreg.scid;
	s7 =	rddreg [dreg:$0x3]  }
0x5: {  	[dreg:$0x5] =	wrdreg s2;
	s20 =	sand.u32 $0x1, s3;
	s3 =	simm.s32 $0x0  }
0x6: {  	s21 =	simm.s32 $0x8500;
	[smem:$0x7FF] =	sst s3  }
0x7: {  	s22 =	simm.s32 $0x8D00;
	_ =	strace $0x80000047;
	[dreg:$0x7] =	wrdreg s21  }
0x8: {  	s23 =	simm.s32 $0x9500;
	[dreg:$0x8] =	wrdreg s22  }
0x9: {  	s24 =	simm.s32 $0x9D00;
	[dreg:$0x9] =	wrdreg s23  }
0xa: {  	s25 =	simm.s32 $0xA500;
	[dreg:$0xa] =	wrdreg s24  }
0xb: {  	s26 =	simm.s32 $0xAD00;
	[dreg:$0xb] =	wrdreg s25  }
0xc: {  	s28 =	simm.s32 $0xB500;
	[dreg:$0xc] =	wrdreg s26  }
0xd: {  	s29 =	simm.s32 $0xBD00;
	[dreg:$0xd] =	wrdreg s28  }
0xe: {  	s30 =	simm.s32 $0xC500;
	[dreg:$0xe] =	wrdreg s29  }
0xf: {  	s6 =	simm.s32 $0xD500;
	[dreg:$0xf] =	wrdreg s30  }
0x10: {  	s9 =	simm.s32 $0xDD00;
	[dreg:$0x11] =	wrdreg s6  }
0x11: {  	s10 =	simm.s32 $0xE500;
	[dreg:$0x12] =	wrdreg s9  }
0x12: {  	s11 =	simm.s32 $0xED00;
	[dreg:$0x13] =	wrdreg s10  }
0x13: {  	s12 =	simm.s32 $0xF500;
	[dreg:$0x14] =	wrdreg s11  }
0x14: {  	s13 =	simm.s32 $0xFD00;
	[dreg:$0x15] =	wrdreg s12  }
0x15: {  	s14 =	simm.s32 $0x10500;
	[dreg:$0x16] =	wrdreg s13  }
0x16: {  	s15 =	simm.s32 $0x10D00;
	[dreg:$0x17] =	wrdreg s14  }
0x17: {  	s16 =	simm.s32 $0x11500;
	[dreg:$0x18] =	wrdreg s15  }
0x18: {  	s4 =	stileid.u32;
	s17 =	simm.s32 $0x11D00;
	[dreg:$0x19] =	wrdreg s16  }
0x19: {  	s18 =	simm.s32 $0x12500;
	s19 =	simm.s32 $0x12D00;
	[dreg:$0x1a] =	wrdreg s17  }
0x1a: {  	s31 =	simm.s32 $0x7900;
	s5 =	sshll.u32 s20, $0x7;
	[dreg:$0x1b] =	wrdreg s18  }
0x1b: {  	s2 =	ssub.s32 $0x2, s20;
	s20 =	simm.s32 $0x13500;
	[dreg:$0x1c] =	wrdreg s19  }
0x1c: {  	s4 =	sshll.u32 s4, $0x8;
	[dreg:$0x1d] =	wrdreg s20;
	s21 =	simm.s32 $0x13D00  }
0x1d: {  	s8 =	sor.u32 s5, s4;
	s22 =	simm.s32 $0x14500;
	[dreg:$0x1e] =	wrdreg s21  }
0x1e: {  	s5 =	sshrl.u32 s2, $0x1;
	s23 =	simm.s32 $0x14D00;
	[dreg:$0x1f] =	wrdreg s22  }
0x1f: {  	s6 =	sadd.s32 $0x300, s0;
	s24 =	simm.s32 $0x15500;
	[smem:$0x7F7] =	sst s23  }
0x20: {  	s16 =	simm.s32 $0x80;
	s25 =	simm.s32 $0x15D00;
	[smem:$0x7F8] =	sst s24  }
0x21: {  	s19 =	simm.s32 $0x2;
	s26 =	simm.s32 $0x16500;
	[smem:$0x7F9] =	sst s25  }
0x22: {  	s18 =	simm.s32 $0x1;
	s28 =	simm.s32 $0x16D00;
	[smem:$0x7FA] =	sst s26  }
0x23: {  	s29 =	simm.s32 $0x17500;
	s30 =	simm.s32 $0x17D00;
	[smem:$0x7FB] =	sst s28  }
0x24: {  	s4 =	sshrl.u32 s8, $0x3;
	s2 =	ssub.s32 s2, s5;
	[smem:$0x7FC] =	sst s29  }
0x25: {  	s5 =	sadd.s32 $0x200, s0;
	s8 =	sshll.u32 s8, $0x7;
	[smem:$0x7FD] =	sst s30  }
0x26: {  	s21 =	simm.s32 $0x400;
	s1 =	sadd.s32 s1, s4;
	s4 =	simm.s32 $0xCD00  }
0x27: {  	s7 =	sadd.s32 s7, s8;
	s15 =	smax.u32 s2, $0x1;
	[dreg:$0x6] =	wrdreg s1  }
0x28: {  	v3 =	vlaneseq.u32;
	[dreg:$0x10] =	wrdreg s4;
	s4 =	sadd.s32 $0x100, s0;
	s8 =	sadd.s32 $0x800, s7  }
0x29: {  	v0 =	vimm.s32 $0x0;
	vm0 =	vmmov $0xffff;
	v2 =	vshrl.u32 v3, $0x3;
	s9 =	sadd.s32 $0x1000, s7;
	s10 =	sadd.s32 $0x1800, s7;
	s11 =	sadd.s32 $0x2000, s7  }
0x2a: {  	v1 =	vand.u32 $0x7, v3;
	v3 =	vor.u32 $0x8, v3;
	v2 =	vmul.u32 $0x8, v2;
	s12 =	sadd.s32 $0x2800, s7;
	s13 =	sadd.s32 $0x3000, s7;
	s14 =	sadd.s32 $0x3800, s7  }
.LBB2_1:
0x2b: {  	s24 =	rddreg [dreg:$0x6]  }
0x2c: {  	[tilespmem:s3], [sflag:$0x1] =	stream.linear.gather [hbm4b:s24+s3], $0x80, $0x38;
	[tilespmem:$0x18100] =	vst v63  }
0x2d: {  	s25 =	rddreg [dreg:$0x5]  }
0x2e: {  	[tilespmem:s16], [sflag:$0x2] =	stream.linear.gather [hbm4b:s25+s3], $0x1, $0x38;
	[tilespmem:$0x18100] =	vst v63  }
0x2f: {  	_ =	swait.ge [sflag:s19], $0x1  }
0x30: {  	[sflag:s19] =	ssyncset.done $0x0  }
0x31: {  	[sflag:s19] =	ssyncadd.s32 $0xFFFFFFFF  }
0x32: {  	v4 =	vld [tilespmem:$0x80];
	_ =	swait.ge [sflag:s18], $0x80  }
0x33: {  	[sflag:s18] =	ssyncset.done $0x0  }
0x34: {  	[sflag:s18] =	ssyncadd.s32 $0xFFFFFF80  }
0x35: {  	v5 =	vld [tilespmem:$0x0];
	_ =	sdelay $0x1  }
0x36: {  	v4 =	vperm.xlane v4, v0;
	_ =	sdelay $0x1  }
0x37: {  	v4 =	vshll.u32 v4, $0xD  }
0x38: {  	v6 =	vadd.s32 v4, v5  }
0x39: {  	v6 =	vshll.u32 v6, $0x3  }
0x3a: {  	v5 =	vand.u32 $0x7, v5;
	v6 =	vand.u32 $0xFFFFFFC0, v6  }
0x3b: {  	v5 =	vor.u32 v5, v6  }
0x3c: {  	v6 =	vperm.xlane v5, v1;
	_ =	sdelay $0x1  }
0x3d: {  	v6 =	vadd.s32 v2, v6;
	_ =	sdelay $0x3  }
0x3e: {  	s1 =	simm.s32 $0x100  }
0x3f: {  	[tilespmem:s1], [sflag:$0x1] =	stream.indirect_vreg.gather [hbm4b:s0+s3], $0x80, v6, vm0, $0xb8;
	[tilespmem:$0x18100] =	vst v63  }
0x40: {  	s23 =	simm.s32 $0x900;
	v5 =	vperm.xlane v5, v3  }
0x41: {  	[tilespmem:s23], [sflag:$0x1] =	stream.indirect_vreg.gather [hbm4b:s4+s3], $0x80, v6, vm0, $0xb8;
	[tilespmem:$0x18100] =	vst v63  }
0x42: {  	s24 =	simm.s32 $0x1100;
	v5 =	vadd.s32 v2, v5  }
0x43: {  	[tilespmem:s24], [sflag:$0x1] =	stream.indirect_vreg.gather [hbm4b:s5+s3], $0x80, v6, vm0, $0xb8;
	[tilespmem:$0x18100] =	vst v63  }
0x44: {  	s25 =	simm.s32 $0x1900  }
0x45: {  	[tilespmem:s25], [sflag:$0x1] =	stream.indirect_vreg.gather [hbm4b:s6+s3], $0x80, v6, vm0, $0xb8;
	[tilespmem:$0x18100] =	vst v63  }
0x46: {  	s26 =	simm.s32 $0x2100  }
0x47: {  	[tilespmem:s26], [sflag:$0x1] =	stream.indirect_vreg.gather [hbm4b:s0+s3], $0x80, v5, vm0, $0xb8;
	[tilespmem:$0x18100] =	vst v63  }
0x48: {  	s28 =	simm.s32 $0x2900  }
0x49: {  	[tilespmem:s28], [sflag:$0x1] =	stream.indirect_vreg.gather [hbm4b:s4+s3], $0x80, v5, vm0, $0xb8;
	[tilespmem:$0x18100] =	vst v63  }
0x4a: {  	s29 =	simm.s32 $0x3100  }
0x4b: {  	[tilespmem:s29], [sflag:$0x1] =	stream.indirect_vreg.gather [hbm4b:s5+s3], $0x80, v5, vm0, $0xb8;
	[tilespmem:$0x18100] =	vst v63  }
0x4c: {  	s30 =	simm.s32 $0x3900  }
0x4d: {  	[tilespmem:s30], [sflag:$0x1] =	stream.indirect_vreg.gather [hbm4b:s6+s3], $0x80, v5, vm0, $0xb8;
	[tilespmem:$0x18100] =	vst v63  }
0x4e: {  	v5 =	vld [tilespmem:$0x10];
	_ =	sdelay $0x4  }
0x4f: {  	v58 =	vadd.s32 v4, v5  }
0x50: {  	v6 =	vshll.u32 v58, $0x3  }
0x51: {  	v5 =	vand.u32 $0x7, v5;
	v6 =	vand.u32 $0xFFFFFFC0, v6  }
0x52: {  	v5 =	vor.u32 v5, v6  }
0x53: {  	v6 =	vperm.xlane v5, v1;
	_ =	sdelay $0x1  }
0x54: {  	v6 =	vadd.s32 v2, v6;
	_ =	sdelay $0x3  }
0x55: {  	s2 =	simm.s32 $0x4100  }
0x56: {  	[tilespmem:s2], [sflag:$0x2] =	stream.indirect_vreg.gather [hbm4b:s0+s3], $0x80, v6, vm0, $0xb8;
	[tilespmem:$0x18100] =	vst v63  }
0x57: {  	s17 =	simm.s32 $0x4900;
	v5 =	vperm.xlane v5, v3  }
0x58: {  	[tilespmem:s17], [sflag:$0x2] =	stream.indirect_vreg.gather [hbm4b:s4+s3], $0x80, v6, vm0, $0xb8;
	[tilespmem:$0x18100] =	vst v63  }
0x59: {  	s20 =	simm.s32 $0x5100;
	v5 =	vadd.s32 v2, v5  }
0x5a: {  	[tilespmem:s20], [sflag:$0x2] =	stream.indirect_vreg.gather [hbm4b:s5+s3], $0x80, v6, vm0, $0xb8;
	[tilespmem:$0x18100] =	vst v63  }
0x5b: {  	s22 =	simm.s32 $0x5900  }
0x5c: {  	[tilespmem:s22], [sflag:$0x2] =	stream.indirect_vreg.gather [hbm4b:s6+s3], $0x80, v6, vm0, $0xb8;
	[tilespmem:$0x18100] =	vst v63  }
0x5d: {  	s23 =	simm.s32 $0x6100  }
0x5e: {  	[tilespmem:s23], [sflag:$0x2] =	stream.indirect_vreg.gather [hbm4b:s0+s3], $0x80, v5, vm0, $0xb8;
	[tilespmem:$0x18100] =	vst v63  }
0x5f: {  	s24 =	simm.s32 $0x6900  }
0x60: {  	[tilespmem:s24], [sflag:$0x2] =	stream.indirect_vreg.gather [hbm4b:s4+s3], $0x80, v5, vm0, $0xb8;
	[tilespmem:$0x18100] =	vst v63  }
0x61: {  	s25 =	simm.s32 $0x7100  }
0x62: {  	[tilespmem:s25], [sflag:$0x2] =	stream.indirect_vreg.gather [hbm4b:s5+s3], $0x80, v5, vm0, $0xb8;
	[tilespmem:$0x18100] =	vst v63  }
0x63: {  	s26 =	simm.s32 $0x7900  }
0x64: {  	[tilespmem:s26], [sflag:$0x2] =	stream.indirect_vreg.gather [hbm4b:s6+s3], $0x80, v5, vm0, $0xb8;
	[tilespmem:$0x18100] =	vst v63  }
0x65: {  	v5 =	vld [tilespmem:$0x20];
	_ =	sdelay $0x4  }
0x66: {  	v59 =	vadd.s32 v4, v5  }
0x67: {  	v6 =	vshll.u32 v59, $0x3  }
0x68: {  	v5 =	vand.u32 $0x7, v5;
	v6 =	vand.u32 $0xFFFFFFC0, v6  }
0x69: {  	v5 =	vor.u32 v5, v6  }
0x6a: {  	v6 =	vperm.xlane v5, v1;
	_ =	sdelay $0x1  }
0x6b: {  	v6 =	vadd.s32 v2, v6;
	_ =	sdelay $0x3  }
0x6c: {  	s25 =	simm.s32 $0x8100  }
0x6d: {  	[tilespmem:s25], [sflag:$0x3] =	stream.indirect_vreg.gather [hbm4b:s0+s3], $0x80, v6, vm0, $0xb8;
	[tilespmem:$0x18100] =	vst v63  }
0x6e: {  	s2 =	simm.s32 $0x8900;
	v5 =	vperm.xlane v5, v3  }
0x6f: {  	[tilespmem:s2], [sflag:$0x3] =	stream.indirect_vreg.gather [hbm4b:s4+s3], $0x80, v6, vm0, $0xb8;
	[tilespmem:$0x18100] =	vst v63  }
0x70: {  	s28 =	simm.s32 $0x9100;
	v5 =	vadd.s32 v2, v5  }
0x71: {  	[tilespmem:s28], [sflag:$0x3] =	stream.indirect_vreg.gather [hbm4b:s5+s3], $0x80, v6, vm0, $0xb8;
	[tilespmem:$0x18100] =	vst v63  }
0x72: {  	s29 =	simm.s32 $0x9900  }
0x73: {  	[tilespmem:s29], [sflag:$0x3] =	stream.indirect_vreg.gather [hbm4b:s6+s3], $0x80, v6, vm0, $0xb8;
	[tilespmem:$0x18100] =	vst v63  }
0x74: {  	s30 =	simm.s32 $0xA100  }
0x75: {  	[tilespmem:s30], [sflag:$0x3] =	stream.indirect_vreg.gather [hbm4b:s0+s3], $0x80, v5, vm0, $0xb8;
	[tilespmem:$0x18100] =	vst v63  }
0x76: {  	s17 =	simm.s32 $0xA900  }
0x77: {  	[tilespmem:s17], [sflag:$0x3] =	stream.indirect_vreg.gather [hbm4b:s4+s3], $0x80, v5, vm0, $0xb8;
	[tilespmem:$0x18100] =	vst v63  }
0x78: {  	s20 =	simm.s32 $0xB100  }
0x79: {  	[tilespmem:s20], [sflag:$0x3] =	stream.indirect_vreg.gather [hbm4b:s5+s3], $0x80, v5, vm0, $0xb8;
	[tilespmem:$0x18100] =	vst v63  }
0x7a: {  	s22 =	simm.s32 $0xB900  }
0x7b: {  	[tilespmem:s22], [sflag:$0x3] =	stream.indirect_vreg.gather [hbm4b:s6+s3], $0x80, v5, vm0, $0xb8;
	[tilespmem:$0x18100] =	vst v63  }
0x7c: {  	v5 =	vld [tilespmem:$0x30];
	_ =	sdelay $0x4  }
0x7d: {  	v60 =	vadd.s32 v4, v5  }
0x7e: {  	v6 =	vshll.u32 v60, $0x3  }
0x7f: {  	v5 =	vand.u32 $0x7, v5;
	v6 =	vand.u32 $0xFFFFFFC0, v6  }
0x80: {  	v5 =	vor.u32 v5, v6  }
0x81: {  	v6 =	vperm.xlane v5, v1;
	_ =	sdelay $0x1  }
0x82: {  	v6 =	vadd.s32 v2, v6;
	_ =	sdelay $0x3  }
0x83: {  	s23 =	simm.s32 $0xC100  }
0x84: {  	[tilespmem:s23], [sflag:$0x4] =	stream.indirect_vreg.gather [hbm4b:s0+s3], $0x80, v6, vm0, $0xb8;
	[tilespmem:$0x18100] =	vst v63  }
0x85: {  	s24 =	simm.s32 $0xC900;
	v5 =	vperm.xlane v5, v3  }
0x86: {  	[tilespmem:s24], [sflag:$0x4] =	stream.indirect_vreg.gather [hbm4b:s4+s3], $0x80, v6, vm0, $0xb8;
	[tilespmem:$0x18100] =	vst v63  }
0x87: {  	s26 =	simm.s32 $0xD100;
	v5 =	vadd.s32 v2, v5  }
0x88: {  	[tilespmem:s26], [sflag:$0x4] =	stream.indirect_vreg.gather [hbm4b:s5+s3], $0x80, v6, vm0, $0xb8;
	[tilespmem:$0x18100] =	vst v63  }
0x89: {  	s28 =	simm.s32 $0xD900  }
0x8a: {  	[tilespmem:s28], [sflag:$0x4] =	stream.indirect_vreg.gather [hbm4b:s6+s3], $0x80, v6, vm0, $0xb8;
	[tilespmem:$0x18100] =	vst v63  }
0x8b: {  	s29 =	simm.s32 $0xE100  }
0x8c: {  	[tilespmem:s29], [sflag:$0x4] =	stream.indirect_vreg.gather [hbm4b:s0+s3], $0x80, v5, vm0, $0xb8;
	[tilespmem:$0x18100] =	vst v63  }
0x8d: {  	s30 =	simm.s32 $0xE900  }
0x8e: {  	[tilespmem:s30], [sflag:$0x4] =	stream.indirect_vreg.gather [hbm4b:s4+s3], $0x80, v5, vm0, $0xb8;
	[tilespmem:$0x18100] =	vst v63  }
0x8f: {  	s17 =	simm.s32 $0xF100  }
0x90: {  	[tilespmem:s17], [sflag:$0x4] =	stream.indirect_vreg.gather [hbm4b:s5+s3], $0x80, v5, vm0, $0xb8;
	[tilespmem:$0x18100] =	vst v63  }
0x91: {  	s20 =	simm.s32 $0xF900  }
0x92: {  	[tilespmem:s20], [sflag:$0x4] =	stream.indirect_vreg.gather [hbm4b:s6+s3], $0x80, v5, vm0, $0xb8;
	[tilespmem:$0x18100] =	vst v63  }
0x93: {  	v5 =	vld [tilespmem:$0x40];
	_ =	sdelay $0x4  }
0x94: {  	v61 =	vadd.s32 v4, v5  }
0x95: {  	v6 =	vshll.u32 v61, $0x3  }
0x96: {  	v5 =	vand.u32 $0x7, v5;
	v6 =	vand.u32 $0xFFFFFFC0, v6  }
0x97: {  	v5 =	vor.u32 v5, v6  }
0x98: {  	v6 =	vperm.xlane v5, v1;
	_ =	sdelay $0x1  }
0x99: {  	v6 =	vadd.s32 v2, v6;
	_ =	sdelay $0x3  }
0x9a: {  	s22 =	simm.s32 $0x10100  }
0x9b: {  	[tilespmem:s22], [sflag:$0x5] =	stream.indirect_vreg.gather [hbm4b:s0+s3], $0x80, v6, vm0, $0xb8;
	[tilespmem:$0x18100] =	vst v63  }
0x9c: {  	s23 =	simm.s32 $0x10900;
	v5 =	vperm.xlane v5, v3  }
0x9d: {  	[tilespmem:s23], [sflag:$0x5] =	stream.indirect_vreg.gather [hbm4b:s4+s3], $0x80, v6, vm0, $0xb8;
	[tilespmem:$0x18100] =	vst v63  }
0x9e: {  	s24 =	simm.s32 $0x11100;
	v5 =	vadd.s32 v2, v5  }
0x9f: {  	[tilespmem:s24], [sflag:$0x5] =	stream.indirect_vreg.gather [hbm4b:s5+s3], $0x80, v6, vm0, $0xb8;
	[tilespmem:$0x18100] =	vst v63  }
0xa0: {  	s26 =	simm.s32 $0x11900  }
0xa1: {  	[tilespmem:s26], [sflag:$0x5] =	stream.indirect_vreg.gather [hbm4b:s6+s3], $0x80, v6, vm0, $0xb8;
	[tilespmem:$0x18100] =	vst v63  }
0xa2: {  	s28 =	simm.s32 $0x12100  }
0xa3: {  	[tilespmem:s28], [sflag:$0x5] =	stream.indirect_vreg.gather [hbm4b:s0+s3], $0x80, v5, vm0, $0xb8;
	[tilespmem:$0x18100] =	vst v63  }
0xa4: {  	s29 =	simm.s32 $0x12900  }
0xa5: {  	[tilespmem:s29], [sflag:$0x5] =	stream.indirect_vreg.gather [hbm4b:s4+s3], $0x80, v5, vm0, $0xb8;
	[tilespmem:$0x18100] =	vst v63  }
0xa6: {  	s30 =	simm.s32 $0x13100  }
0xa7: {  	[tilespmem:s30], [sflag:$0x5] =	stream.indirect_vreg.gather [hbm4b:s5+s3], $0x80, v5, vm0, $0xb8;
	[tilespmem:$0x18100] =	vst v63  }
0xa8: {  	s17 =	simm.s32 $0x13900  }
0xa9: {  	[tilespmem:s17], [sflag:$0x5] =	stream.indirect_vreg.gather [hbm4b:s6+s3], $0x80, v5, vm0, $0xb8;
	[tilespmem:$0x18100] =	vst v63  }
0xaa: {  	v5 =	vld [tilespmem:$0x50];
	_ =	sdelay $0x4  }
0xab: {  	v62 =	vadd.s32 v4, v5  }
0xac: {  	v6 =	vshll.u32 v62, $0x3  }
0xad: {  	v5 =	vand.u32 $0x7, v5;
	v6 =	vand.u32 $0xFFFFFFC0, v6  }
0xae: {  	v5 =	vor.u32 v5, v6  }
0xaf: {  	v6 =	vperm.xlane v5, v1;
	_ =	sdelay $0x1  }
0xb0: {  	v6 =	vadd.s32 v2, v6;
	_ =	sdelay $0x3  }
0xb1: {  	s20 =	simm.s32 $0x14100  }
0xb2: {  	[tilespmem:s20], [sflag:$0x6] =	stream.indirect_vreg.gather [hbm4b:s0+s3], $0x80, v6, vm0, $0xb8;
	[tilespmem:$0x18100] =	vst v63  }
0xb3: {  	s22 =	simm.s32 $0x14900;
	v5 =	vperm.xlane v5, v3  }
0xb4: {  	[tilespmem:s22], [sflag:$0x6] =	stream.indirect_vreg.gather [hbm4b:s4+s3], $0x80, v6, vm0, $0xb8;
	[tilespmem:$0x18100] =	vst v63  }
0xb5: {  	s23 =	simm.s32 $0x15100;
	v5 =	vadd.s32 v2, v5  }
0xb6: {  	[tilespmem:s23], [sflag:$0x6] =	stream.indirect_vreg.gather [hbm4b:s5+s3], $0x80, v6, vm0, $0xb8;
	[tilespmem:$0x18100] =	vst v63  }
0xb7: {  	s24 =	simm.s32 $0x15900  }
0xb8: {  	[tilespmem:s24], [sflag:$0x6] =	stream.indirect_vreg.gather [hbm4b:s6+s3], $0x80, v6, vm0, $0xb8;
	[tilespmem:$0x18100] =	vst v63  }
0xb9: {  	s26 =	simm.s32 $0x16100  }
0xba: {  	[tilespmem:s26], [sflag:$0x6] =	stream.indirect_vreg.gather [hbm4b:s0+s3], $0x80, v5, vm0, $0xb8;
	[tilespmem:$0x18100] =	vst v63  }
0xbb: {  	s28 =	simm.s32 $0x16900  }
0xbc: {  	[tilespmem:s28], [sflag:$0x6] =	stream.indirect_vreg.gather [hbm4b:s4+s3], $0x80, v5, vm0, $0xb8;
	[tilespmem:$0x18100] =	vst v63  }
0xbd: {  	s29 =	simm.s32 $0x17100  }
0xbe: {  	[tilespmem:s29], [sflag:$0x6] =	stream.indirect_vreg.gather [hbm4b:s5+s3], $0x80, v5, vm0, $0xb8;
	[tilespmem:$0x18100] =	vst v63  }
0xbf: {  	s30 =	simm.s32 $0x17900  }
0xc0: {  	[tilespmem:s30], [sflag:$0x6] =	stream.indirect_vreg.gather [hbm4b:s6+s3], $0x80, v5, vm0, $0xb8;
	[tilespmem:$0x18100] =	vst v63  }
0xc1: {  	_ =	swait.ge [sflag:s18], $0x4000  }
0xc2: {  	[sflag:s18] =	ssyncset.done $0x0  }
0xc3: {  	s30 =	simm.s32 $0x100;
	[sflag:s18] =	ssyncadd.s32 $0xFFFFC000  }
0xc4: {  	[hbm4b:s7+s16] =	stream.strided.scatter [tilespmem:s30], [sflag:$0x7], $0x400, s21, s16, $0x38;
	[tilespmem:$0x18100] =	vst v63  }
0xc5: {  	s1 =	sadd.s32 $0x10, s7;
	s17 =	simm.s32 $0x500  }
0xc6: {  	[hbm4b:s1+s16] =	stream.strided.scatter [tilespmem:s17], [sflag:$0x7], $0x400, s21, s16, $0x38;
	[tilespmem:$0x18100] =	vst v63  }
0xc7: {  	s20 =	sadd.s32 $0x20, s7;
	s29 =	simm.s32 $0x900  }
0xc8: {  	[hbm4b:s20+s16] =	stream.strided.scatter [tilespmem:s29], [sflag:$0x7], $0x400, s21, s16, $0x38;
	[tilespmem:$0x18100] =	vst v63  }
0xc9: {  	s22 =	sadd.s32 $0x30, s7;
	s23 =	simm.s32 $0xD00  }
0xca: {  	[hbm4b:s22+s16] =	stream.strided.scatter [tilespmem:s23], [sflag:$0x7], $0x400, s21, s16, $0x38;
	[tilespmem:$0x18100] =	vst v63  }
0xcb: {  	s26 =	sadd.s32 $0x40, s7;
	s28 =	simm.s32 $0x1100  }
0xcc: {  	[hbm4b:s26+s16] =	stream.strided.scatter [tilespmem:s28], [sflag:$0x7], $0x400, s21, s16, $0x38;
	[tilespmem:$0x18100] =	vst v63  }
0xcd: {  	s1 =	sadd.s32 $0x50, s7;
	s17 =	simm.s32 $0x1500  }
0xce: {  	[hbm4b:s1+s16] =	stream.strided.scatter [tilespmem:s17], [sflag:$0x7], $0x400, s21, s16, $0x38;
	[tilespmem:$0x18100] =	vst v63  }
0xcf: {  	s20 =	sadd.s32 $0x60, s7;
	s26 =	simm.s32 $0x1900  }
0xd0: {  	[hbm4b:s20+s16] =	stream.strided.scatter [tilespmem:s26], [sflag:$0x7], $0x400, s21, s16, $0x38;
	[tilespmem:$0x18100] =	vst v63  }
0xd1: {  	s22 =	sadd.s32 $0x70, s7;
	s23 =	simm.s32 $0x1D00  }
0xd2: {  	[hbm4b:s22+s16] =	stream.strided.scatter [tilespmem:s23], [sflag:$0x7], $0x400, s21, s16, $0x38;
	[tilespmem:$0x18100] =	vst v63  }
0xd3: {  	s17 =	sadd.s32 $0x400, s7;
	s23 =	simm.s32 $0x2100  }
0xd4: {  	[hbm4b:s17+s16] =	stream.strided.scatter [tilespmem:s23], [sflag:$0x7], $0x400, s21, s16, $0x38;
	[tilespmem:$0x18100] =	vst v63  }
0xd5: {  	s20 =	sadd.s32 $0x410, s7;
	s22 =	simm.s32 $0x2500  }
0xd6: {  	[hbm4b:s20+s16] =	stream.strided.scatter [tilespmem:s22], [sflag:$0x7], $0x400, s21, s16, $0x38;
	[tilespmem:$0x18100] =	vst v63  }
0xd7: {  	s1 =	sadd.s32 $0x420, s7;
	s20 =	simm.s32 $0x2900  }
0xd8: {  	[hbm4b:s1+s16] =	stream.strided.scatter [tilespmem:s20], [sflag:$0x7], $0x400, s21, s16, $0x38;
	[tilespmem:$0x18100] =	vst v63  }
0xd9: {  	s17 =	sadd.s32 $0x430, s7;
	s22 =	simm.s32 $0x2D00  }
0xda: {  	[hbm4b:s17+s16] =	stream.strided.scatter [tilespmem:s22], [sflag:$0x7], $0x400, s21, s16, $0x38;
	[tilespmem:$0x18100] =	vst v63  }
0xdb: {  	s17 =	sadd.s32 $0x440, s7;
	s22 =	simm.s32 $0x3100  }
0xdc: {  	[hbm4b:s17+s16] =	stream.strided.scatter [tilespmem:s22], [sflag:$0x7], $0x400, s21, s16, $0x38;
	[tilespmem:$0x18100] =	vst v63  }
0xdd: {  	s1 =	sadd.s32 $0x450, s7;
	s17 =	simm.s32 $0x3500  }
0xde: {  	[hbm4b:s1+s16] =	stream.strided.scatter [tilespmem:s17], [sflag:$0x7], $0x400, s21, s16, $0x38;
	[tilespmem:$0x18100] =	vst v63  }
0xdf: {  	s1 =	sadd.s32 $0x460, s7;
	s17 =	simm.s32 $0x3900  }
0xe0: {  	[hbm4b:s1+s16] =	stream.strided.scatter [tilespmem:s17], [sflag:$0x7], $0x400, s21, s16, $0x38;
	[tilespmem:$0x18100] =	vst v63  }
0xe1: {  	s24 =	sadd.s32 $0x470, s7;
	s1 =	simm.s32 $0x3D00  }
0xe2: {  	[hbm4b:s24+s16] =	stream.strided.scatter [tilespmem:s1], [sflag:$0x7], $0x400, s21, s16, $0x38;
	[tilespmem:$0x18100] =	vst v63  }
0xe3: {  	s1 =	simm.s32 $0x7  }
0xe4: {  	_ =	swait.ge [sflag:s1], $0x4000  }
0xe5: {  	[sflag:s1] =	ssyncset.done $0x0  }
0xe6: {  	[sflag:s1] =	ssyncadd.s32 $0xFFFFC000  }
0xe7: {  	v5 =	vld [tilespmem:$0x60];
	_ =	sdelay $0x4  }
0xe8: {  	v63 =	vadd.s32 v4, v5  }
0xe9: {  	v6 =	vshll.u32 v63, $0x3  }
0xea: {  	v5 =	vand.u32 $0x7, v5;
	v6 =	vand.u32 $0xFFFFFFC0, v6  }
0xeb: {  	v5 =	vor.u32 v5, v6  }
0xec: {  	v6 =	vperm.xlane v5, v1;
	_ =	sdelay $0x1  }
0xed: {  	v6 =	vadd.s32 v2, v6;
	_ =	sdelay $0x4  }
0xee: {  	[tilespmem:s30], [sflag:$0x1] =	stream.indirect_vreg.gather [hbm4b:s0+s3], $0x80, v6, vm0, $0xb8;
	[tilespmem:$0x18100] =	vst v63  }
0xef: {  	v5 =	vperm.xlane v5, v3  }
0xf0: {  	[tilespmem:s29], [sflag:$0x1] =	stream.indirect_vreg.gather [hbm4b:s4+s3], $0x80, v6, vm0, $0xb8;
	[tilespmem:$0x18100] =	vst v63  }
0xf1: {  	v5 =	vadd.s32 v2, v5  }
0xf2: {  	[tilespmem:s28], [sflag:$0x1] =	stream.indirect_vreg.gather [hbm4b:s5+s3], $0x80, v6, vm0, $0xb8;
	[tilespmem:$0x18100] =	vst v63  }
0xf3: {  	_ = 	snop  }
0xf4: {  	[tilespmem:s26], [sflag:$0x1] =	stream.indirect_vreg.gather [hbm4b:s6+s3], $0x80, v6, vm0, $0xb8;
	[tilespmem:$0x18100] =	vst v63  }
0xf5: {  	_ = 	snop  }
0xf6: {  	[tilespmem:s23], [sflag:$0x1] =	stream.indirect_vreg.gather [hbm4b:s0+s3], $0x80, v5, vm0, $0xb8;
	[tilespmem:$0x18100] =	vst v63  }
0xf7: {  	_ = 	snop  }
0xf8: {  	[tilespmem:s20], [sflag:$0x1] =	stream.indirect_vreg.gather [hbm4b:s4+s3], $0x80, v5, vm0, $0xb8;
	[tilespmem:$0x18100] =	vst v63  }
0xf9: {  	_ = 	snop  }
0xfa: {  	[tilespmem:s22], [sflag:$0x1] =	stream.indirect_vreg.gather [hbm4b:s5+s3], $0x80, v5, vm0, $0xb8;
	[tilespmem:$0x18100] =	vst v63  }
0xfb: {  	_ = 	snop  }
0xfc: {  	[tilespmem:s17], [sflag:$0x1] =	stream.indirect_vreg.gather [hbm4b:s6+s3], $0x80, v5, vm0, $0xb8;
	[tilespmem:$0x18100] =	vst v63  }
0xfd: {  	_ =	swait.ge [sflag:s19], $0x4000  }
0xfe: {  	[sflag:s19] =	ssyncset.done $0x0  }
0xff: {  	s20 =	simm.s32 $0x4100;
	[sflag:s19] =	ssyncadd.s32 $0xFFFFC000  }
0x100: {  	[hbm4b:s8+s16] =	stream.strided.scatter [tilespmem:s20], [sflag:$0x8], $0x400, s21, s16, $0x38;
	[tilespmem:$0x18100] =	vst v63  }
0x101: {  	s30 =	simm.s32 $0x4500;
	s29 =	sadd.s32 $0x10, s8  }
0x102: {  	[hbm4b:s29+s16] =	stream.strided.scatter [tilespmem:s30], [sflag:$0x8], $0x400, s21, s16, $0x38;
	[tilespmem:$0x18100] =	vst v63  }
0x103: {  	s22 =	simm.s32 $0x4900;
	s17 =	sadd.s32 $0x20, s8  }
0x104: {  	[hbm4b:s17+s16] =	stream.strided.scatter [tilespmem:s22], [sflag:$0x8], $0x400, s21, s16, $0x38;
	[tilespmem:$0x18100] =	vst v63  }
0x105: {  	s26 =	simm.s32 $0x4D00;
	s23 =	sadd.s32 $0x30, s8  }
0x106: {  	[hbm4b:s23+s16] =	stream.strided.scatter [tilespmem:s26], [sflag:$0x8], $0x400, s21, s16, $0x38;
	[tilespmem:$0x18100] =	vst v63  }
0x107: {  	s28 =	sadd.s32 $0x40, s8;
	s23 =	simm.s32 $0x5100  }
0x108: {  	[hbm4b:s28+s16] =	stream.strided.scatter [tilespmem:s23], [sflag:$0x8], $0x400, s21, s16, $0x38;
	[tilespmem:$0x18100] =	vst v63  }
0x109: {  	s29 =	sadd.s32 $0x50, s8;
	s30 =	simm.s32 $0x5500  }
0x10a: {  	[hbm4b:s29+s16] =	stream.strided.scatter [tilespmem:s30], [sflag:$0x8], $0x400, s21, s16, $0x38;
	[tilespmem:$0x18100] =	vst v63  }
0x10b: {  	s17 =	sadd.s32 $0x60, s8;
	s26 =	simm.s32 $0x5900  }
0x10c: {  	[hbm4b:s17+s16] =	stream.strided.scatter [tilespmem:s26], [sflag:$0x8], $0x400, s21, s16, $0x38;
	[tilespmem:$0x18100] =	vst v63  }
0x10d: {  	s28 =	sadd.s32 $0x70, s8;
	s29 =	simm.s32 $0x5D00  }
0x10e: {  	[hbm4b:s28+s16] =	stream.strided.scatter [tilespmem:s29], [sflag:$0x8], $0x400, s21, s16, $0x38;
	[tilespmem:$0x18100] =	vst v63  }
0x10f: {  	s30 =	sadd.s32 $0x400, s8;
	s28 =	simm.s32 $0x6100  }
0x110: {  	[hbm4b:s30+s16] =	stream.strided.scatter [tilespmem:s28], [sflag:$0x8], $0x400, s21, s16, $0x38;
	[tilespmem:$0x18100] =	vst v63  }
0x111: {  	s17 =	sadd.s32 $0x410, s8;
	s29 =	simm.s32 $0x6500  }
0x112: {  	[hbm4b:s17+s16] =	stream.strided.scatter [tilespmem:s29], [sflag:$0x8], $0x400, s21, s16, $0x38;
	[tilespmem:$0x18100] =	vst v63  }
0x113: {  	s30 =	sadd.s32 $0x420, s8;
	s29 =	simm.s32 $0x6900  }
0x114: {  	[hbm4b:s30+s16] =	stream.strided.scatter [tilespmem:s29], [sflag:$0x8], $0x400, s21, s16, $0x38;
	[tilespmem:$0x18100] =	vst v63  }
0x115: {  	s17 =	sadd.s32 $0x430, s8;
	s30 =	simm.s32 $0x6D00  }
0x116: {  	[hbm4b:s17+s16] =	stream.strided.scatter [tilespmem:s30], [sflag:$0x8], $0x400, s21, s16, $0x38;
	[tilespmem:$0x18100] =	vst v63  }
0x117: {  	s17 =	sadd.s32 $0x440, s8;
	s30 =	simm.s32 $0x7100  }
0x118: {  	[hbm4b:s17+s16] =	stream.strided.scatter [tilespmem:s30], [sflag:$0x8], $0x400, s21, s16, $0x38;
	[tilespmem:$0x18100] =	vst v63  }
0x119: {  	s24 =	sadd.s32 $0x450, s8;
	s17 =	simm.s32 $0x7500  }
0x11a: {  	[hbm4b:s24+s16] =	stream.strided.scatter [tilespmem:s17], [sflag:$0x8], $0x400, s21, s16, $0x38;
	[tilespmem:$0x18100] =	vst v63  }
0x11b: {  	s17 =	sadd.s32 $0x460, s8  }
0x11c: {  	[hbm4b:s17+s16] =	stream.strided.scatter [tilespmem:s31], [sflag:$0x8], $0x400, s21, s16, $0x38;
	[tilespmem:$0x18100] =	vst v63  }
0x11d: {  	s24 =	sadd.s32 $0x470, s8;
	s17 =	simm.s32 $0x7D00  }
0x11e: {  	[hbm4b:s24+s16] =	stream.strided.scatter [tilespmem:s17], [sflag:$0x8], $0x400, s21, s16, $0x38;
	[tilespmem:$0x18100] =	vst v63  }
0x11f: {  	s17 =	simm.s32 $0x8  }
0x120: {  	_ =	swait.ge [sflag:s17], $0x4000  }
0x121: {  	[sflag:s17] =	ssyncset.done $0x0  }
0x122: {  	[sflag:s17] =	ssyncadd.s32 $0xFFFFC000  }
0x123: {  	v5 =	vld [tilespmem:$0x70];
	_ =	sdelay $0x4  }
0x124: {  	v4 =	vadd.s32 v4, v5  }
0x125: {  	v4 =	vshll.u32 v4, $0x3  }
0x126: {  	v5 =	vand.u32 $0x7, v5;
	v4 =	vand.u32 $0xFFFFFFC0, v4  }
0x127: {  	v4 =	vor.u32 v5, v4  }
0x128: {  	v5 =	vperm.xlane v4, v1;
	_ =	sdelay $0x1  }
0x129: {  	v5 =	vadd.s32 v2, v5;
	_ =	sdelay $0x4  }
0x12a: {  	[tilespmem:s20], [sflag:$0x2] =	stream.indirect_vreg.gather [hbm4b:s0+s3], $0x80, v5, vm0, $0xb8;
	[tilespmem:$0x18100] =	vst v63  }
0x12b: {  	v4 =	vperm.xlane v4, v3  }
0x12c: {  	[tilespmem:s22], [sflag:$0x2] =	stream.indirect_vreg.gather [hbm4b:s4+s3], $0x80, v5, vm0, $0xb8;
	[tilespmem:$0x18100] =	vst v63  }
0x12d: {  	v4 =	vadd.s32 v2, v4  }
0x12e: {  	[tilespmem:s23], [sflag:$0x2] =	stream.indirect_vreg.gather [hbm4b:s5+s3], $0x80, v5, vm0, $0xb8;
	[tilespmem:$0x18100] =	vst v63  }
0x12f: {  	_ = 	snop  }
0x130: {  	[tilespmem:s26], [sflag:$0x2] =	stream.indirect_vreg.gather [hbm4b:s6+s3], $0x80, v5, vm0, $0xb8;
	[tilespmem:$0x18100] =	vst v63  }
0x131: {  	_ = 	snop  }
0x132: {  	[tilespmem:s28], [sflag:$0x2] =	stream.indirect_vreg.gather [hbm4b:s0+s3], $0x80, v4, vm0, $0xb8;
	[tilespmem:$0x18100] =	vst v63  }
0x133: {  	_ = 	snop  }
0x134: {  	[tilespmem:s29], [sflag:$0x2] =	stream.indirect_vreg.gather [hbm4b:s4+s3], $0x80, v4, vm0, $0xb8;
	[tilespmem:$0x18100] =	vst v63  }
0x135: {  	_ = 	snop  }
0x136: {  	[tilespmem:s30], [sflag:$0x2] =	stream.indirect_vreg.gather [hbm4b:s5+s3], $0x80, v4, vm0, $0xb8;
	[tilespmem:$0x18100] =	vst v63  }
0x137: {  	s29 =	simm.s32 $0x3  }
0x138: {  	[tilespmem:s31], [sflag:$0x2] =	stream.indirect_vreg.gather [hbm4b:s6+s3], $0x80, v4, vm0, $0xb8;
	[tilespmem:$0x18100] =	vst v63  }
0x139: {  	_ =	swait.ge [sflag:s29], $0x4000  }
0x13a: {  	[sflag:s29] =	ssyncset.done $0x0  }
0x13b: {  	[sflag:s29] =	ssyncadd.s32 $0xFFFFC000  }
0x13c: {  	[hbm4b:s9+s16] =	stream.strided.scatter [tilespmem:s25], [sflag:$0x9], $0x400, s21, s16, $0x38;
	[tilespmem:$0x18100] =	vst v63  }
0x13d: {  	s28 =	sadd.s32 $0x10, s9;
	s30 =	rddreg [dreg:$0x7]  }
0x13e: {  	[hbm4b:s28+s16] =	stream.strided.scatter [tilespmem:s30], [sflag:$0x9], $0x400, s21, s16, $0x38;
	[tilespmem:$0x18100] =	vst v63  }
0x13f: {  	s29 =	sadd.s32 $0x20, s9  }
0x140: {  	[hbm4b:s29+s16] =	stream.strided.scatter [tilespmem:s2], [sflag:$0x9], $0x400, s21, s16, $0x38;
	[tilespmem:$0x18100] =	vst v63  }
0x141: {  	s30 =	rddreg [dreg:$0x8];
	s2 =	sadd.s32 $0x30, s9  }
0x142: {  	[hbm4b:s2+s16] =	stream.strided.scatter [tilespmem:s30], [sflag:$0x9], $0x400, s21, s16, $0x38;
	[tilespmem:$0x18100] =	vst v63  }
0x143: {  	s28 =	sadd.s32 $0x40, s9;
	s30 =	simm.s32 $0x9100  }
0x144: {  	[hbm4b:s28+s16] =	stream.strided.scatter [tilespmem:s30], [sflag:$0x9], $0x400, s21, s16, $0x38;
	[tilespmem:$0x18100] =	vst v63  }
0x145: {  	s29 =	rddreg [dreg:$0x9];
	s2 =	sadd.s32 $0x50, s9  }
0x146: {  	[hbm4b:s2+s16] =	stream.strided.scatter [tilespmem:s29], [sflag:$0x9], $0x400, s21, s16, $0x38;
	[tilespmem:$0x18100] =	vst v63  }
0x147: {  	s28 =	sadd.s32 $0x60, s9;
	s30 =	simm.s32 $0x9900  }
0x148: {  	[hbm4b:s28+s16] =	stream.strided.scatter [tilespmem:s30], [sflag:$0x9], $0x400, s21, s16, $0x38;
	[tilespmem:$0x18100] =	vst v63  }
0x149: {  	s29 =	rddreg [dreg:$0xa];
	s2 =	sadd.s32 $0x70, s9  }
0x14a: {  	[hbm4b:s2+s16] =	stream.strided.scatter [tilespmem:s29], [sflag:$0x9], $0x400, s21, s16, $0x38;
	[tilespmem:$0x18100] =	vst v63  }
0x14b: {  	s28 =	sadd.s32 $0x400, s9;
	s30 =	simm.s32 $0xA100  }
0x14c: {  	[hbm4b:s28+s16] =	stream.strided.scatter [tilespmem:s30], [sflag:$0x9], $0x400, s21, s16, $0x38;
	[tilespmem:$0x18100] =	vst v63  }
0x14d: {  	s29 =	rddreg [dreg:$0xb];
	s2 =	sadd.s32 $0x410, s9  }
0x14e: {  	[hbm4b:s2+s16] =	stream.strided.scatter [tilespmem:s29], [sflag:$0x9], $0x400, s21, s16, $0x38;
	[tilespmem:$0x18100] =	vst v63  }
0x14f: {  	s28 =	sadd.s32 $0x420, s9;
	s30 =	simm.s32 $0xA900  }
0x150: {  	[hbm4b:s28+s16] =	stream.strided.scatter [tilespmem:s30], [sflag:$0x9], $0x400, s21, s16, $0x38;
	[tilespmem:$0x18100] =	vst v63  }
0x151: {  	s29 =	rddreg [dreg:$0xc];
	s2 =	sadd.s32 $0x430, s9  }
0x152: {  	[hbm4b:s2+s16] =	stream.strided.scatter [tilespmem:s29], [sflag:$0x9], $0x400, s21, s16, $0x38;
	[tilespmem:$0x18100] =	vst v63  }
0x153: {  	s28 =	sadd.s32 $0x440, s9;
	s30 =	simm.s32 $0xB100  }
0x154: {  	[hbm4b:s28+s16] =	stream.strided.scatter [tilespmem:s30], [sflag:$0x9], $0x400, s21, s16, $0x38;
	[tilespmem:$0x18100] =	vst v63  }
0x155: {  	s29 =	rddreg [dreg:$0xd];
	s2 =	sadd.s32 $0x450, s9  }
0x156: {  	[hbm4b:s2+s16] =	stream.strided.scatter [tilespmem:s29], [sflag:$0x9], $0x400, s21, s16, $0x38;
	[tilespmem:$0x18100] =	vst v63  }
0x157: {  	s28 =	sadd.s32 $0x460, s9;
	s30 =	simm.s32 $0xB900  }
0x158: {  	[hbm4b:s28+s16] =	stream.strided.scatter [tilespmem:s30], [sflag:$0x9], $0x400, s21, s16, $0x38;
	[tilespmem:$0x18100] =	vst v63  }
0x159: {  	s29 =	rddreg [dreg:$0xe];
	s2 =	sadd.s32 $0x470, s9;
	s28 =	simm.s32 $0x4  }
0x15a: {  	[hbm4b:s2+s16] =	stream.strided.scatter [tilespmem:s29], [sflag:$0x9], $0x400, s21, s16, $0x38;
	[tilespmem:$0x18100] =	vst v63  }
0x15b: {  	_ =	swait.ge [sflag:s28], $0x4000  }
0x15c: {  	[sflag:s28] =	ssyncset.done $0x0  }
0x15d: {  	s30 =	simm.s32 $0xC100;
	[sflag:s28] =	ssyncadd.s32 $0xFFFFC000  }
0x15e: {  	[hbm4b:s10+s16] =	stream.strided.scatter [tilespmem:s30], [sflag:$0xA], $0x400, s21, s16, $0x38;
	[tilespmem:$0x18100] =	vst v63  }
0x15f: {  	s2 =	sadd.s32 $0x10, s10;
	s29 =	rddreg [dreg:$0xf]  }
0x160: {  	[hbm4b:s2+s16] =	stream.strided.scatter [tilespmem:s29], [sflag:$0xA], $0x400, s21, s16, $0x38;
	[tilespmem:$0x18100] =	vst v63  }
0x161: {  	s28 =	sadd.s32 $0x20, s10;
	s30 =	simm.s32 $0xC900  }
0x162: {  	[hbm4b:s28+s16] =	stream.strided.scatter [tilespmem:s30], [sflag:$0xA], $0x400, s21, s16, $0x38;
	[tilespmem:$0x18100] =	vst v63  }
0x163: {  	s29 =	rddreg [dreg:$0x10];
	s2 =	sadd.s32 $0x30, s10  }
0x164: {  	[hbm4b:s2+s16] =	stream.strided.scatter [tilespmem:s29], [sflag:$0xA], $0x400, s21, s16, $0x38;
	[tilespmem:$0x18100] =	vst v63  }
0x165: {  	s28 =	sadd.s32 $0x40, s10;
	s30 =	simm.s32 $0xD100  }
0x166: {  	[hbm4b:s28+s16] =	stream.strided.scatter [tilespmem:s30], [sflag:$0xA], $0x400, s21, s16, $0x38;
	[tilespmem:$0x18100] =	vst v63  }
0x167: {  	s29 =	rddreg [dreg:$0x11];
	s2 =	sadd.s32 $0x50, s10  }
0x168: {  	[hbm4b:s2+s16] =	stream.strided.scatter [tilespmem:s29], [sflag:$0xA], $0x400, s21, s16, $0x38;
	[tilespmem:$0x18100] =	vst v63  }
0x169: {  	s28 =	sadd.s32 $0x60, s10;
	s30 =	simm.s32 $0xD900  }
0x16a: {  	[hbm4b:s28+s16] =	stream.strided.scatter [tilespmem:s30], [sflag:$0xA], $0x400, s21, s16, $0x38;
	[tilespmem:$0x18100] =	vst v63  }
0x16b: {  	s29 =	rddreg [dreg:$0x12];
	s2 =	sadd.s32 $0x70, s10  }
0x16c: {  	[hbm4b:s2+s16] =	stream.strided.scatter [tilespmem:s29], [sflag:$0xA], $0x400, s21, s16, $0x38;
	[tilespmem:$0x18100] =	vst v63  }
0x16d: {  	s28 =	sadd.s32 $0x400, s10;
	s30 =	simm.s32 $0xE100  }
0x16e: {  	[hbm4b:s28+s16] =	stream.strided.scatter [tilespmem:s30], [sflag:$0xA], $0x400, s21, s16, $0x38;
	[tilespmem:$0x18100] =	vst v63  }
0x16f: {  	s29 =	rddreg [dreg:$0x13];
	s2 =	sadd.s32 $0x410, s10  }
0x170: {  	[hbm4b:s2+s16] =	stream.strided.scatter [tilespmem:s29], [sflag:$0xA], $0x400, s21, s16, $0x38;
	[tilespmem:$0x18100] =	vst v63  }
0x171: {  	s28 =	sadd.s32 $0x420, s10;
	s30 =	simm.s32 $0xE900  }
0x172: {  	[hbm4b:s28+s16] =	stream.strided.scatter [tilespmem:s30], [sflag:$0xA], $0x400, s21, s16, $0x38;
	[tilespmem:$0x18100] =	vst v63  }
0x173: {  	s29 =	rddreg [dreg:$0x14];
	s2 =	sadd.s32 $0x430, s10  }
0x174: {  	[hbm4b:s2+s16] =	stream.strided.scatter [tilespmem:s29], [sflag:$0xA], $0x400, s21, s16, $0x38;
	[tilespmem:$0x18100] =	vst v63  }
0x175: {  	s28 =	sadd.s32 $0x440, s10;
	s30 =	simm.s32 $0xF100  }
0x176: {  	[hbm4b:s28+s16] =	stream.strided.scatter [tilespmem:s30], [sflag:$0xA], $0x400, s21, s16, $0x38;
	[tilespmem:$0x18100] =	vst v63  }
0x177: {  	s29 =	rddreg [dreg:$0x15];
	s2 =	sadd.s32 $0x450, s10  }
0x178: {  	[hbm4b:s2+s16] =	stream.strided.scatter [tilespmem:s29], [sflag:$0xA], $0x400, s21, s16, $0x38;
	[tilespmem:$0x18100] =	vst v63  }
0x179: {  	s28 =	sadd.s32 $0x460, s10;
	s30 =	simm.s32 $0xF900  }
0x17a: {  	[hbm4b:s28+s16] =	stream.strided.scatter [tilespmem:s30], [sflag:$0xA], $0x400, s21, s16, $0x38;
	[tilespmem:$0x18100] =	vst v63  }
0x17b: {  	s29 =	rddreg [dreg:$0x16];
	s2 =	sadd.s32 $0x470, s10;
	s28 =	simm.s32 $0x5  }
0x17c: {  	[hbm4b:s2+s16] =	stream.strided.scatter [tilespmem:s29], [sflag:$0xA], $0x400, s21, s16, $0x38;
	[tilespmem:$0x18100] =	vst v63  }
0x17d: {  	_ =	swait.ge [sflag:s28], $0x4000  }
0x17e: {  	[sflag:s28] =	ssyncset.done $0x0  }
0x17f: {  	s30 =	simm.s32 $0x10100;
	[sflag:s28] =	ssyncadd.s32 $0xFFFFC000  }
0x180: {  	[hbm4b:s11+s16] =	stream.strided.scatter [tilespmem:s30], [sflag:$0xB], $0x400, s21, s16, $0x38;
	[tilespmem:$0x18100] =	vst v63  }
0x181: {  	s2 =	sadd.s32 $0x10, s11;
	s29 =	rddreg [dreg:$0x17]  }
0x182: {  	[hbm4b:s2+s16] =	stream.strided.scatter [tilespmem:s29], [sflag:$0xB], $0x400, s21, s16, $0x38;
	[tilespmem:$0x18100] =	vst v63  }
0x183: {  	s28 =	sadd.s32 $0x20, s11;
	s30 =	simm.s32 $0x10900  }
0x184: {  	[hbm4b:s28+s16] =	stream.strided.scatter [tilespmem:s30], [sflag:$0xB], $0x400, s21, s16, $0x38;
	[tilespmem:$0x18100] =	vst v63  }
0x185: {  	s29 =	rddreg [dreg:$0x18];
	s2 =	sadd.s32 $0x30, s11  }
0x186: {  	[hbm4b:s2+s16] =	stream.strided.scatter [tilespmem:s29], [sflag:$0xB], $0x400, s21, s16, $0x38;
	[tilespmem:$0x18100] =	vst v63  }
0x187: {  	s28 =	sadd.s32 $0x40, s11;
	s30 =	simm.s32 $0x11100  }
0x188: {  	[hbm4b:s28+s16] =	stream.strided.scatter [tilespmem:s30], [sflag:$0xB], $0x400, s21, s16, $0x38;
	[tilespmem:$0x18100] =	vst v63  }
0x189: {  	s29 =	rddreg [dreg:$0x19];
	s2 =	sadd.s32 $0x50, s11  }
0x18a: {  	[hbm4b:s2+s16] =	stream.strided.scatter [tilespmem:s29], [sflag:$0xB], $0x400, s21, s16, $0x38;
	[tilespmem:$0x18100] =	vst v63  }
0x18b: {  	s28 =	sadd.s32 $0x60, s11;
	s30 =	simm.s32 $0x11900  }
0x18c: {  	[hbm4b:s28+s16] =	stream.strided.scatter [tilespmem:s30], [sflag:$0xB], $0x400, s21, s16, $0x38;
	[tilespmem:$0x18100] =	vst v63  }
0x18d: {  	s29 =	rddreg [dreg:$0x1a];
	s2 =	sadd.s32 $0x70, s11  }
0x18e: {  	[hbm4b:s2+s16] =	stream.strided.scatter [tilespmem:s29], [sflag:$0xB], $0x400, s21, s16, $0x38;
	[tilespmem:$0x18100] =	vst v63  }
0x18f: {  	s28 =	sadd.s32 $0x400, s11;
	s30 =	simm.s32 $0x12100  }
0x190: {  	[hbm4b:s28+s16] =	stream.strided.scatter [tilespmem:s30], [sflag:$0xB], $0x400, s21, s16, $0x38;
	[tilespmem:$0x18100] =	vst v63  }
0x191: {  	s29 =	rddreg [dreg:$0x1b];
	s2 =	sadd.s32 $0x410, s11  }
0x192: {  	[hbm4b:s2+s16] =	stream.strided.scatter [tilespmem:s29], [sflag:$0xB], $0x400, s21, s16, $0x38;
	[tilespmem:$0x18100] =	vst v63  }
0x193: {  	s28 =	sadd.s32 $0x420, s11;
	s30 =	simm.s32 $0x12900  }
0x194: {  	[hbm4b:s28+s16] =	stream.strided.scatter [tilespmem:s30], [sflag:$0xB], $0x400, s21, s16, $0x38;
	[tilespmem:$0x18100] =	vst v63  }
0x195: {  	s29 =	rddreg [dreg:$0x1c];
	s2 =	sadd.s32 $0x430, s11  }
0x196: {  	[hbm4b:s2+s16] =	stream.strided.scatter [tilespmem:s29], [sflag:$0xB], $0x400, s21, s16, $0x38;
	[tilespmem:$0x18100] =	vst v63  }
0x197: {  	s28 =	sadd.s32 $0x440, s11;
	s30 =	simm.s32 $0x13100  }
0x198: {  	[hbm4b:s28+s16] =	stream.strided.scatter [tilespmem:s30], [sflag:$0xB], $0x400, s21, s16, $0x38;
	[tilespmem:$0x18100] =	vst v63  }
0x199: {  	s29 =	rddreg [dreg:$0x1d];
	s2 =	sadd.s32 $0x450, s11  }
0x19a: {  	[hbm4b:s2+s16] =	stream.strided.scatter [tilespmem:s29], [sflag:$0xB], $0x400, s21, s16, $0x38;
	[tilespmem:$0x18100] =	vst v63  }
0x19b: {  	s28 =	sadd.s32 $0x460, s11;
	s30 =	simm.s32 $0x13900  }
0x19c: {  	[hbm4b:s28+s16] =	stream.strided.scatter [tilespmem:s30], [sflag:$0xB], $0x400, s21, s16, $0x38;
	[tilespmem:$0x18100] =	vst v63  }
0x19d: {  	s29 =	rddreg [dreg:$0x1e];
	s2 =	sadd.s32 $0x470, s11;
	s28 =	simm.s32 $0x6  }
0x19e: {  	[hbm4b:s2+s16] =	stream.strided.scatter [tilespmem:s29], [sflag:$0xB], $0x400, s21, s16, $0x38;
	[tilespmem:$0x18100] =	vst v63  }
0x19f: {  	_ =	swait.ge [sflag:s28], $0x4000  }
0x1a0: {  	[sflag:s28] =	ssyncset.done $0x0  }
0x1a1: {  	s30 =	simm.s32 $0x14100;
	[sflag:s28] =	ssyncadd.s32 $0xFFFFC000  }
0x1a2: {  	[hbm4b:s12+s16] =	stream.strided.scatter [tilespmem:s30], [sflag:$0xC], $0x400, s21, s16, $0x38;
	[tilespmem:$0x18100] =	vst v63  }
0x1a3: {  	s2 =	sadd.s32 $0x10, s12;
	s29 =	rddreg [dreg:$0x1f]  }
0x1a4: {  	[hbm4b:s2+s16] =	stream.strided.scatter [tilespmem:s29], [sflag:$0xC], $0x400, s21, s16, $0x38;
	[tilespmem:$0x18100] =	vst v63  }
0x1a5: {  	s28 =	sadd.s32 $0x20, s12;
	s30 =	simm.s32 $0x14900;
	s29 =	sld [smem:$0x7F7]  }
0x1a6: {  	[hbm4b:s28+s16] =	stream.strided.scatter [tilespmem:s30], [sflag:$0xC], $0x400, s21, s16, $0x38;
	[tilespmem:$0x18100] =	vst v63  }
0x1a7: {  	s2 =	sadd.s32 $0x30, s12  }
0x1a8: {  	[hbm4b:s2+s16] =	stream.strided.scatter [tilespmem:s29], [sflag:$0xC], $0x400, s21, s16, $0x38;
	[tilespmem:$0x18100] =	vst v63  }
0x1a9: {  	s28 =	sadd.s32 $0x40, s12;
	s30 =	simm.s32 $0x15100;
	s29 =	sld [smem:$0x7F8]  }
0x1aa: {  	[hbm4b:s28+s16] =	stream.strided.scatter [tilespmem:s30], [sflag:$0xC], $0x400, s21, s16, $0x38;
	[tilespmem:$0x18100] =	vst v63  }
0x1ab: {  	s2 =	sadd.s32 $0x50, s12  }
0x1ac: {  	[hbm4b:s2+s16] =	stream.strided.scatter [tilespmem:s29], [sflag:$0xC], $0x400, s21, s16, $0x38;
	[tilespmem:$0x18100] =	vst v63  }
0x1ad: {  	s28 =	sadd.s32 $0x60, s12;
	s30 =	simm.s32 $0x15900;
	s29 =	sld [smem:$0x7F9]  }
0x1ae: {  	[hbm4b:s28+s16] =	stream.strided.scatter [tilespmem:s30], [sflag:$0xC], $0x400, s21, s16, $0x38;
	[tilespmem:$0x18100] =	vst v63  }
0x1af: {  	s2 =	sadd.s32 $0x70, s12  }
0x1b0: {  	[hbm4b:s2+s16] =	stream.strided.scatter [tilespmem:s29], [sflag:$0xC], $0x400, s21, s16, $0x38;
	[tilespmem:$0x18100] =	vst v63  }
0x1b1: {  	s28 =	sadd.s32 $0x400, s12;
	s30 =	simm.s32 $0x16100;
	s29 =	sld [smem:$0x7FA]  }
0x1b2: {  	[hbm4b:s28+s16] =	stream.strided.scatter [tilespmem:s30], [sflag:$0xC], $0x400, s21, s16, $0x38;
	[tilespmem:$0x18100] =	vst v63  }
0x1b3: {  	s2 =	sadd.s32 $0x410, s12  }
0x1b4: {  	[hbm4b:s2+s16] =	stream.strided.scatter [tilespmem:s29], [sflag:$0xC], $0x400, s21, s16, $0x38;
	[tilespmem:$0x18100] =	vst v63  }
0x1b5: {  	s28 =	sadd.s32 $0x420, s12;
	s30 =	simm.s32 $0x16900;
	s29 =	sld [smem:$0x7FB]  }
0x1b6: {  	[hbm4b:s28+s16] =	stream.strided.scatter [tilespmem:s30], [sflag:$0xC], $0x400, s21, s16, $0x38;
	[tilespmem:$0x18100] =	vst v63  }
0x1b7: {  	s2 =	sadd.s32 $0x430, s12  }
0x1b8: {  	[hbm4b:s2+s16] =	stream.strided.scatter [tilespmem:s29], [sflag:$0xC], $0x400, s21, s16, $0x38;
	[tilespmem:$0x18100] =	vst v63  }
0x1b9: {  	s28 =	sadd.s32 $0x440, s12;
	s30 =	simm.s32 $0x17100;
	s29 =	sld [smem:$0x7FC]  }
0x1ba: {  	[hbm4b:s28+s16] =	stream.strided.scatter [tilespmem:s30], [sflag:$0xC], $0x400, s21, s16, $0x38;
	[tilespmem:$0x18100] =	vst v63  }
0x1bb: {  	s2 =	sadd.s32 $0x450, s12  }
0x1bc: {  	[hbm4b:s2+s16] =	stream.strided.scatter [tilespmem:s29], [sflag:$0xC], $0x400, s21, s16, $0x38;
	[tilespmem:$0x18100] =	vst v63  }
0x1bd: {  	s28 =	sadd.s32 $0x460, s12;
	s30 =	simm.s32 $0x17900;
	s29 =	sld [smem:$0x7FD]  }
0x1be: {  	[hbm4b:s28+s16] =	stream.strided.scatter [tilespmem:s30], [sflag:$0xC], $0x400, s21, s16, $0x38;
	[tilespmem:$0x18100] =	vst v63  }
0x1bf: {  	s2 =	sadd.s32 $0x470, s12  }
0x1c0: {  	[hbm4b:s2+s16] =	stream.strided.scatter [tilespmem:s29], [sflag:$0xC], $0x400, s21, s16, $0x38;
	[tilespmem:$0x18100] =	vst v63  }
0x1c1: {  	_ =	swait.ge [sflag:s18], $0x4000  }
0x1c2: {  	[sflag:s18] =	ssyncset.done $0x0  }
0x1c3: {  	s28 =	simm.s32 $0x100;
	[sflag:s18] =	ssyncadd.s32 $0xFFFFC000  }
0x1c4: {  	[hbm4b:s13+s16] =	stream.strided.scatter [tilespmem:s28], [sflag:$0x7], $0x400, s21, s16, $0x38;
	[tilespmem:$0x18100] =	vst v63  }
0x1c5: {  	s30 =	simm.s32 $0x500;
	s29 =	sadd.s32 $0x10, s13  }
0x1c6: {  	[hbm4b:s29+s16] =	stream.strided.scatter [tilespmem:s30], [sflag:$0x7], $0x400, s21, s16, $0x38;
	[tilespmem:$0x18100] =	vst v63  }
0x1c7: {  	s25 =	sadd.s32 $0x20, s13;
	s28 =	simm.s32 $0x900  }
0x1c8: {  	[hbm4b:s25+s16] =	stream.strided.scatter [tilespmem:s28], [sflag:$0x7], $0x400, s21, s16, $0x38;
	[tilespmem:$0x18100] =	vst v63  }
0x1c9: {  	s29 =	sadd.s32 $0x30, s13;
	s30 =	simm.s32 $0xD00  }
0x1ca: {  	[hbm4b:s29+s16] =	stream.strided.scatter [tilespmem:s30], [sflag:$0x7], $0x400, s21, s16, $0x38;
	[tilespmem:$0x18100] =	vst v63  }
0x1cb: {  	s25 =	sadd.s32 $0x40, s13;
	s28 =	simm.s32 $0x1100  }
0x1cc: {  	[hbm4b:s25+s16] =	stream.strided.scatter [tilespmem:s28], [sflag:$0x7], $0x400, s21, s16, $0x38;
	[tilespmem:$0x18100] =	vst v63  }
0x1cd: {  	s29 =	sadd.s32 $0x50, s13;
	s30 =	simm.s32 $0x1500  }
0x1ce: {  	[hbm4b:s29+s16] =	stream.strided.scatter [tilespmem:s30], [sflag:$0x7], $0x400, s21, s16, $0x38;
	[tilespmem:$0x18100] =	vst v63  }
0x1cf: {  	s25 =	sadd.s32 $0x60, s13;
	s28 =	simm.s32 $0x1900  }
0x1d0: {  	[hbm4b:s25+s16] =	stream.strided.scatter [tilespmem:s28], [sflag:$0x7], $0x400, s21, s16, $0x38;
	[tilespmem:$0x18100] =	vst v63  }
0x1d1: {  	s29 =	sadd.s32 $0x70, s13;
	s30 =	simm.s32 $0x1D00  }
0x1d2: {  	[hbm4b:s29+s16] =	stream.strided.scatter [tilespmem:s30], [sflag:$0x7], $0x400, s21, s16, $0x38;
	[tilespmem:$0x18100] =	vst v63  }
0x1d3: {  	s25 =	sadd.s32 $0x400, s13;
	s28 =	simm.s32 $0x2100  }
0x1d4: {  	[hbm4b:s25+s16] =	stream.strided.scatter [tilespmem:s28], [sflag:$0x7], $0x400, s21, s16, $0x38;
	[tilespmem:$0x18100] =	vst v63  }
0x1d5: {  	s29 =	sadd.s32 $0x410, s13;
	s30 =	simm.s32 $0x2500  }
0x1d6: {  	[hbm4b:s29+s16] =	stream.strided.scatter [tilespmem:s30], [sflag:$0x7], $0x400, s21, s16, $0x38;
	[tilespmem:$0x18100] =	vst v63  }
0x1d7: {  	s25 =	sadd.s32 $0x420, s13;
	s28 =	simm.s32 $0x2900  }
0x1d8: {  	[hbm4b:s25+s16] =	stream.strided.scatter [tilespmem:s28], [sflag:$0x7], $0x400, s21, s16, $0x38;
	[tilespmem:$0x18100] =	vst v63  }
0x1d9: {  	s29 =	sadd.s32 $0x430, s13;
	s30 =	simm.s32 $0x2D00  }
0x1da: {  	[hbm4b:s29+s16] =	stream.strided.scatter [tilespmem:s30], [sflag:$0x7], $0x400, s21, s16, $0x38;
	[tilespmem:$0x18100] =	vst v63  }
0x1db: {  	s25 =	sadd.s32 $0x440, s13;
	s28 =	simm.s32 $0x3100  }
0x1dc: {  	[hbm4b:s25+s16] =	stream.strided.scatter [tilespmem:s28], [sflag:$0x7], $0x400, s21, s16, $0x38;
	[tilespmem:$0x18100] =	vst v63  }
0x1dd: {  	s29 =	sadd.s32 $0x450, s13;
	s30 =	simm.s32 $0x3500  }
0x1de: {  	[hbm4b:s29+s16] =	stream.strided.scatter [tilespmem:s30], [sflag:$0x7], $0x400, s21, s16, $0x38;
	[tilespmem:$0x18100] =	vst v63  }
0x1df: {  	s25 =	sadd.s32 $0x460, s13;
	s28 =	simm.s32 $0x3900  }
0x1e0: {  	[hbm4b:s25+s16] =	stream.strided.scatter [tilespmem:s28], [sflag:$0x7], $0x400, s21, s16, $0x38;
	[tilespmem:$0x18100] =	vst v63  }
0x1e1: {  	s29 =	sadd.s32 $0x470, s13;
	s30 =	simm.s32 $0x3D00  }
0x1e2: {  	[hbm4b:s29+s16] =	stream.strided.scatter [tilespmem:s30], [sflag:$0x7], $0x400, s21, s16, $0x38;
	[tilespmem:$0x18100] =	vst v63  }
0x1e3: {  	_ =	swait.ge [sflag:s19], $0x4000  }
0x1e4: {  	[sflag:s19] =	ssyncset.done $0x0  }
0x1e5: {  	s24 =	simm.s32 $0x4100;
	[sflag:s19] =	ssyncadd.s32 $0xFFFFC000  }
0x1e6: {  	[hbm4b:s14+s16] =	stream.strided.scatter [tilespmem:s24], [sflag:$0x8], $0x400, s21, s16, $0x38;
	[tilespmem:$0x18100] =	vst v63  }
0x1e7: {  	s25 =	sadd.s32 $0x10, s14;
	s28 =	simm.s32 $0x4500  }
0x1e8: {  	[hbm4b:s25+s16] =	stream.strided.scatter [tilespmem:s28], [sflag:$0x8], $0x400, s21, s16, $0x38;
	[tilespmem:$0x18100] =	vst v63  }
0x1e9: {  	s29 =	sadd.s32 $0x20, s14;
	s30 =	simm.s32 $0x4900  }
0x1ea: {  	[hbm4b:s29+s16] =	stream.strided.scatter [tilespmem:s30], [sflag:$0x8], $0x400, s21, s16, $0x38;
	[tilespmem:$0x18100] =	vst v63  }
0x1eb: {  	s25 =	sadd.s32 $0x30, s14;
	s28 =	simm.s32 $0x4D00  }
0x1ec: {  	[hbm4b:s25+s16] =	stream.strided.scatter [tilespmem:s28], [sflag:$0x8], $0x400, s21, s16, $0x38;
	[tilespmem:$0x18100] =	vst v63  }
0x1ed: {  	s29 =	sadd.s32 $0x40, s14;
	s30 =	simm.s32 $0x5100  }
0x1ee: {  	[hbm4b:s29+s16] =	stream.strided.scatter [tilespmem:s30], [sflag:$0x8], $0x400, s21, s16, $0x38;
	[tilespmem:$0x18100] =	vst v63  }
0x1ef: {  	s25 =	sadd.s32 $0x50, s14;
	s28 =	simm.s32 $0x5500  }
0x1f0: {  	[hbm4b:s25+s16] =	stream.strided.scatter [tilespmem:s28], [sflag:$0x8], $0x400, s21, s16, $0x38;
	[tilespmem:$0x18100] =	vst v63  }
0x1f1: {  	s29 =	sadd.s32 $0x60, s14;
	s30 =	simm.s32 $0x5900  }
0x1f2: {  	[hbm4b:s29+s16] =	stream.strided.scatter [tilespmem:s30], [sflag:$0x8], $0x400, s21, s16, $0x38;
	[tilespmem:$0x18100] =	vst v63  }
0x1f3: {  	s2 =	sadd.s32 $0x70, s14;
	s25 =	simm.s32 $0x5D00  }
0x1f4: {  	[hbm4b:s2+s16] =	stream.strided.scatter [tilespmem:s25], [sflag:$0x8], $0x400, s21, s16, $0x38;
	[tilespmem:$0x18100] =	vst v63  }
0x1f5: {  	s26 =	simm.s32 $0x6100;
	s28 =	sadd.s32 $0x400, s14  }
0x1f6: {  	[hbm4b:s28+s16] =	stream.strided.scatter [tilespmem:s26], [sflag:$0x8], $0x400, s21, s16, $0x38;
	[tilespmem:$0x18100] =	vst v63  }
0x1f7: {  	s29 =	sadd.s32 $0x410, s14;
	s30 =	simm.s32 $0x6500  }
0x1f8: {  	[hbm4b:s29+s16] =	stream.strided.scatter [tilespmem:s30], [sflag:$0x8], $0x400, s21, s16, $0x38;
	[tilespmem:$0x18100] =	vst v63  }
0x1f9: {  	s23 =	simm.s32 $0x6900;
	s2 =	sadd.s32 $0x420, s14  }
0x1fa: {  	[hbm4b:s2+s16] =	stream.strided.scatter [tilespmem:s23], [sflag:$0x8], $0x400, s21, s16, $0x38;
	[tilespmem:$0x18100] =	vst v63  }
0x1fb: {  	s25 =	sadd.s32 $0x430, s14;
	s26 =	simm.s32 $0x6D00  }
0x1fc: {  	[hbm4b:s25+s16] =	stream.strided.scatter [tilespmem:s26], [sflag:$0x8], $0x400, s21, s16, $0x38;
	[tilespmem:$0x18100] =	vst v63  }
0x1fd: {  	s22 =	simm.s32 $0x7100;
	s28 =	sadd.s32 $0x440, s14  }
0x1fe: {  	[hbm4b:s28+s16] =	stream.strided.scatter [tilespmem:s22], [sflag:$0x8], $0x400, s21, s16, $0x38;
	[tilespmem:$0x18100] =	vst v63  }
0x1ff: {  	s29 =	sadd.s32 $0x450, s14;
	s30 =	simm.s32 $0x7500  }
0x200: {  	[hbm4b:s29+s16] =	stream.strided.scatter [tilespmem:s30], [sflag:$0x8], $0x400, s21, s16, $0x38;
	[tilespmem:$0x18100] =	vst v63  }
0x201: {  	s20 =	simm.s32 $0x7900;
	s22 =	sadd.s32 $0x460, s14  }
0x202: {  	[hbm4b:s22+s16] =	stream.strided.scatter [tilespmem:s20], [sflag:$0x8], $0x400, s21, s16, $0x38;
	[tilespmem:$0x18100] =	vst v63  }
0x203: {  	s23 =	sadd.s32 $0x470, s14;
	s25 =	simm.s32 $0x7D00;
	s26 =	simm.s32 $0x9  }
0x204: {  	[hbm4b:s23+s16] =	stream.strided.scatter [tilespmem:s25], [sflag:$0x8], $0x400, s21, s16, $0x38;
	[tilespmem:$0x18100] =	vst v63  }
0x205: {  	_ =	swait.ge [sflag:s26], $0x4000  }
0x206: {  	[sflag:s26] =	ssyncset.done $0x0  }
0x207: {  	s28 =	simm.s32 $0xA;
	[sflag:s26] =	ssyncadd.s32 $0xFFFFC000  }
0x208: {  	_ =	swait.ge [sflag:s28], $0x4000  }
0x209: {  	[sflag:s28] =	ssyncset.done $0x0  }
0x20a: {  	s29 =	simm.s32 $0xB;
	[sflag:s28] =	ssyncadd.s32 $0xFFFFC000  }
0x20b: {  	_ =	swait.ge [sflag:s29], $0x4000  }
0x20c: {  	[sflag:s29] =	ssyncset.done $0x0  }
0x20d: {  	s30 =	simm.s32 $0xC;
	[sflag:s29] =	ssyncadd.s32 $0xFFFFC000  }
0x20e: {  	_ =	swait.ge [sflag:s30], $0x4000  }
0x20f: {  	[sflag:s30] =	ssyncset.done $0x0  }
0x210: {  	[sflag:s30] =	ssyncadd.s32 $0xFFFFC000  }
0x211: {  	p0 =	sne.s32 s15, $0x1;
	_ =	swait.ge [sflag:s1], $0x4000  }
.Ltmp0:
0x212: {  	[sflag:s1] =	ssyncset.done $0x0;
	(pc) =	sbr.rel @p0 .LBB2_1-.Ltmp0, $4  }
0x213: {  	[sflag:s1] =	ssyncadd.s32 $0xFFFFC000  }
0x214: {  	_ =	swait.ge [sflag:s17], $0x4000  }
0x215: {  	[sflag:s17] =	ssyncset.done $0x0  }
0x216: {  	s15 =	sadd.s32 $0xFFFFFFFF, s15;
	[sflag:s17] =	ssyncadd.s32 $0xFFFFC000  }
0x217: {  	_ =	sfence.sel $0x180000  }
0x218: {  	[bflag:$0x0] =	sbarrier.arrive $0xFFFF  }
0x219: {  	_ =	strace $0x90000047  }
0x21a: {  	s0 =	stileid.u32;
	[bflag:$0x2] =	sbarrier.arrive $0xFFFF  }
0x21b: {  	p0 =	sne.s32 s0, $0x0;
	s0 =	rddreg [dreg:$0x4]  }
0x21c: {  	s0 =	sadd.s32 @!p0 $0x100000, s0  }
0x21d: {  	[sflag:s0] =	ssyncadd.tile.s32 @!p0 $0x1;
	_ =	shalt  }
.Lfunc_end2:
_tile_overlayer_lowered:
.L_overlay_start_2:
0x21e: {  	(tag) =	ssettag $0x2  }
0x21f: {  	s0 =	rddreg [dreg:$0x0];
	s2 =	stileid.u32  }
0x220: {  	s1 =	rddreg [dreg:$0x1];
	p0 =	sne.s32 s2, $0x0  }
0x221: {  	s3 =	rddreg [dreg:$0x2];
	[bflag:$0x3] =	sbarrier.arrive $0xFFFF;
	s2 =	simm.s32 @!p0 $0x1C0D  }
0x222: {  	[timem:s3], [sflag:s2] =	dma.local @!p0 [hbm:s0], s1  }
0x223: {  	s0 =	simm.s32 @!p0 $0xD  }
0x224: {  	_ =	swait.ge @!p0 [sflag:s0], s1  }
0x225: {  	s1 =	ssub.s32 @!p0 $0x0, s1;
	[sflag:s0] =	ssyncset.done @!p0 $0x0  }
0x226: {  	[sflag:s0] =	ssyncadd.s32 @!p0 s1  }
0x227: {  	[bflag:$0x3] =	sbarrier.arrive $0xFFFF  }
0x228: {  	_ =	shalt  }

</sc_bundles>
